<compile_context>
chip_gen: v7x
topology: tpu7x:2x2x1
jax: 0.10.2.dev20260603
libtpu: 0.0.44.dev20260713+nightly
codegen_flags: <defaults>
</compile_context>

<pallas_src>
import functools

import jax
import jax.numpy as jnp
from jax import lax
from jax.experimental import pallas as pl
from jax.experimental.pallas import tpu as pltpu
from jax.experimental.pallas import tpu_sc as plsc

NC = 2
NS = 16
NW = NC * NS

NBUF = 3
NIDX = 6


def _pick_batch(epw):
    for batch in range(128, 7, -8):
        if epw % batch == 0 and epw // batch > NIDX:
            return batch, epw // batch, 0
    for batch in range(128, 7, -8):
        bpw = epw // batch
        tail = epw - bpw * batch
        if bpw > NIDX and tail % 8 == 0:
            return batch, bpw, tail
    raise ValueError(f"no valid batch size for {epw} edges per worker")


def _make_sc_scatter(n, n_pad, d, e):
    epw = e // NW
    batch, bpw, tail = _pick_batch(epw)
    rows_per_sub = n_pad // NS
    nfull, nrem = divmod(rows_per_sub, batch)

    mesh = plsc.VectorSubcoreMesh(core_axis_name="c", subcore_axis_name="s")

    @functools.partial(
        pl.kernel,
        out_type=jax.ShapeDtypeStruct((NC, n_pad, d), jnp.float32),
        mesh=mesh,
        scratch_types=[
            pltpu.VMEM_SHARED((n_pad, d), jnp.float32),
            [pltpu.VMEM((batch,), jnp.int32)] * NIDX,
            [pltpu.VMEM((batch,), jnp.int32)] * NIDX,
            [pltpu.VMEM((batch, d), jnp.float32)] * NBUF,
            pltpu.VMEM((tail or 8,), jnp.int32),
            pltpu.VMEM((tail or 8,), jnp.int32),
            [pltpu.SemaphoreType.DMA] * 2,
            [pltpu.SemaphoreType.DMA] * 3,
            [pltpu.SemaphoreType.DMA] * 2,
        ],
    )
    def sc_scatter(x_hbm, ei_hbm, out_hbm,
                   acc, srcbufs, dstbufs, rowbufs, tsrc, tdst,
                   gsems, ssems, isems):
        c = lax.axis_index("c")
        s = lax.axis_index("s")
        w = s * NC + c

        zrow = rowbufs[0]
        zero16 = jnp.zeros((16,), jnp.float32)

        @pl.loop(0, batch)
        def _(r):
            for q in range(d // 16):
                zrow[r, pl.ds(q * 16, 16)] = zero16

        a0 = pl.multiple_of(s * rows_per_sub, 8)
        for q in range(nfull):
            pltpu.async_copy(zrow, acc.at[pl.ds(a0 + q * batch, batch)],
                             gsems[0])
        if nrem:
            pltpu.async_copy(zrow.at[pl.ds(0, nrem)],
                             acc.at[pl.ds(a0 + nfull * batch, nrem)],
                             gsems[0])
        for q in range(nfull):
            pltpu.make_async_copy(
                zrow, acc.at[pl.ds(a0, batch)], gsems[0]).wait()
        if nrem:
            pltpu.make_async_copy(
                zrow.at[pl.ds(0, nrem)], acc.at[pl.ds(a0, nrem)],
                gsems[0]).wait()
        plsc.subcore_barrier()

        def drain_rows(sem):
            pltpu.make_async_copy(
                x_hbm.at[pl.ds(0, batch)], rowbufs[0], sem).wait()

        def drain_idx(sem):
            pltpu.make_async_copy(
                ei_hbm.at[pl.ds(0, batch)], dstbufs[0], sem).wait()

        pad0 = pl.multiple_of(n_pad - batch, 8)
        for m in range(3):
            pltpu.async_copy(rowbufs[m], acc.at[pl.ds(pad0, batch)],
                             ssems[m])
        pltpu.async_copy(x_hbm.at[pl.ds(0, batch)], rowbufs[NBUF - 1],
                         gsems[1])
        lanes = lax.iota(jnp.int32, 16)
        for i in range(batch // 16):
            dstbufs[NIDX - 1][pl.ds(i * 16, 16)] = (
                n + (i * 16 + lanes) % (n_pad - n))

        e_base = w * epw
        pltpu.async_copy(ei_hbm.at[pl.ds(e_base, batch)], srcbufs[0],
                         isems[0])
        pltpu.async_copy(ei_hbm.at[pl.ds(e + e_base, batch)], dstbufs[0],
                         isems[0])

        def body_iter(j, u):
            drain_rows(ssems[u % 3])
            jn = jnp.minimum(j + 1, bpw - 1)
            e1 = pl.multiple_of(e_base + jn * batch, 8)
            pltpu.async_copy(ei_hbm.at[pl.ds(e1, batch)],
                             srcbufs[(u + 1) % NIDX],
                             isems[(u + 1) % 2])
            pltpu.async_copy(ei_hbm.at[pl.ds(e + e1, batch)],
                             dstbufs[(u + 1) % NIDX],
                             isems[(u + 1) % 2])
            drain_idx(isems[u % 2])
            drain_idx(isems[u % 2])
            pltpu.async_copy(x_hbm.at[srcbufs[u % NIDX]],
                             rowbufs[u % NBUF], gsems[u % 2])
            drain_rows(gsems[(u + 1) % 2])
            pltpu.async_copy(rowbufs[(u + 2) % NBUF],
                             acc.at[dstbufs[(u + 5) % NIDX]],
                             ssems[(u + 2) % 3], add=True)

        ngroups, nrem_it = divmod(bpw, NIDX)

        @pl.loop(0, ngroups)
        def _(g):
            for u in range(NIDX):
                body_iter(g * NIDX + u, u)

        for u in range(nrem_it):
            body_iter(ngroups * NIDX + u, u)

        drain_rows(gsems[(bpw - 1) % 2])
        pltpu.async_copy(rowbufs[(bpw - 1) % NBUF],
                         acc.at[dstbufs[(bpw - 1) % NIDX]],
                         ssems[(bpw - 1) % 3], add=True)
        for m in range(3):
            drain_rows(ssems[m])
        drain_rows(ssems[2])
        drain_idx(isems[bpw % 2])
        drain_idx(isems[bpw % 2])

        if tail:
            t0 = pl.multiple_of(e_base + bpw * batch, 8)
            trows = rowbufs[0].at[pl.ds(0, tail)]
            pltpu.sync_copy(ei_hbm.at[pl.ds(t0, tail)], tsrc)
            pltpu.sync_copy(ei_hbm.at[pl.ds(e + t0, tail)], tdst)
            pltpu.async_copy(x_hbm.at[tsrc], trows, gsems[0])
            pltpu.make_async_copy(
                x_hbm.at[pl.ds(0, tail)], trows, gsems[0]).wait()
            pltpu.sync_copy(trows, acc.at[tdst], add=True)
        plsc.subcore_barrier()

        pltpu.sync_copy(acc.at[pl.ds(a0, rows_per_sub)],
                        out_hbm.at[c, pl.ds(a0, rows_per_sub)])

    return sc_scatter


def _make_tc_combine(n, n_pad, d, out_dim):
    br = 2000
    grid = (n + br - 1) // br

    def body(p0_ref, p1_ref, w_ref, b_ref, o_ref):
        a = p0_ref[0] + p1_ref[0]
        o_ref[...] = (
            jnp.dot(a, w_ref[...], preferred_element_type=jnp.float32)
            + b_ref[...]
        )

    return pl.pallas_call(
        body,
        grid=(grid,),
        in_specs=[
            pl.BlockSpec((1, br, d), lambda i: (0, i, 0)),
            pl.BlockSpec((1, br, d), lambda i: (1, i, 0)),
            pl.BlockSpec((d, out_dim), lambda i: (0, 0)),
            pl.BlockSpec((1, out_dim), lambda i: (0, 0)),
        ],
        out_specs=pl.BlockSpec((br, out_dim), lambda i: (i, 0)),
        out_shape=jax.ShapeDtypeStruct((n, out_dim), jnp.float32),
    )


def kernel(x, edge_index, W, b):
    n, d = x.shape
    e = edge_index.shape[1]
    out_dim = W.shape[1]
    batch, _, _ = _pick_batch(e // NW)
    n_pad = ((n + batch + 127) // 128) * 128

    partials = _make_sc_scatter(n, n_pad, d, e)(x, edge_index.reshape(2 * e))
    return _make_tc_combine(n, n_pad, d, out_dim)(
        partials, partials, W, b.reshape(1, out_dim))

# --- scband reference (transcript-rebuilt; emitter-appended) ---
"""Pipeline reference for scband-cochain-message-passing-67010079752481 (READ-ONLY COPY).

The authoritative reference and input builder live on the scoring server;
editing this copy changes nothing except your own understanding.
"""

import jax, jax.numpy as jnp
import numpy as np

N = 10000
E = 320000
D = 128
OUT = 128


def setup_inputs(seed: int = 0) -> dict:
    key = jax.random.key(seed)
    k1, k2, k3, k4 = jax.random.split(key, 4)
    x = jax.random.normal(k1, (N, D), dtype=jnp.float32)
    edge_index = jax.random.randint(k2, (2, E), 0, N, dtype=jnp.int32)
    # Linear(dim * node_dimension, simplex_dimension) for dim=1 -> W: [D, OUT]
    bound = 1.0 / np.sqrt(D)
    W = jax.random.uniform(k3, (D, OUT), dtype=jnp.float32, minval=-bound, maxval=bound)
    b = jax.random.uniform(k4, (OUT,), dtype=jnp.float32, minval=-bound, maxval=bound)
    return {"x": x, "edge_index": edge_index, "W": W, "b": b}


def reference(x, edge_index, W, b):
    # Cochain message passing over the (upper) adjacency of the complex,
    # represented as COO edge_index. Messages flow src -> dst, aggregated
    # by scatter-add (segment_sum), then transformed by the dim-1 Linear.
    src = edge_index[0]
    dst = edge_index[1]
    msgs = jnp.take(x, src, axis=0)               # gather: [E, D]
    agg = jax.ops.segment_sum(msgs, dst, num_segments=N)  # scatter-add: [N, D]
    out = agg @ W + b                              # transform[1]: Linear(D, OUT)
    return out

if __name__ == "__main__":
    import jax
    _d = setup_inputs()
    print(jax.jit(kernel)(*tuple(_d.values())))

</pallas_src>

<mosaic_0001>
#map = affine_map<(d0, d1) -> (0, 0)>
#map1 = affine_map<(d0, d1) -> (0)>
#map2 = affine_map<(d0, d1) -> (0, 0, 0)>
module attributes {stable_mosaic.version = 14 : i64} {
  func.func @sc_scatter(%arg0: i32, %arg1: i32, %arg2: memref<10000x128xf32, #tpu.memory_space<hbm>>, %arg3: memref<640000xi32, #tpu.memory_space<hbm>>, %arg4: memref<2x10112x128xf32, #tpu.memory_space<hbm>>, %arg5: memref<10112x128xf32, #tpu.memory_space<vmem_shared>>, %arg6: memref<80xi32, #tpu.memory_space<vmem>>, %arg7: memref<80xi32, #tpu.memory_space<vmem>>, %arg8: memref<80xi32, #tpu.memory_space<vmem>>, %arg9: memref<80xi32, #tpu.memory_space<vmem>>, %arg10: memref<80xi32, #tpu.memory_space<vmem>>, %arg11: memref<80xi32, #tpu.memory_space<vmem>>, %arg12: memref<80xi32, #tpu.memory_space<vmem>>, %arg13: memref<80xi32, #tpu.memory_space<vmem>>, %arg14: memref<80xi32, #tpu.memory_space<vmem>>, %arg15: memref<80xi32, #tpu.memory_space<vmem>>, %arg16: memref<80xi32, #tpu.memory_space<vmem>>, %arg17: memref<80xi32, #tpu.memory_space<vmem>>, %arg18: memref<80x128xf32, #tpu.memory_space<vmem>>, %arg19: memref<80x128xf32, #tpu.memory_space<vmem>>, %arg20: memref<80x128xf32, #tpu.memory_space<vmem>>, %arg21: memref<8xi32, #tpu.memory_space<vmem>>, %arg22: memref<8xi32, #tpu.memory_space<vmem>>, %arg23: memref<!tpu.dma_semaphore, #tpu.memory_space<semaphore_mem>>, %arg24: memref<!tpu.dma_semaphore, #tpu.memory_space<semaphore_mem>>, %arg25: memref<!tpu.dma_semaphore, #tpu.memory_space<semaphore_mem>>, %arg26: memref<!tpu.dma_semaphore, #tpu.memory_space<semaphore_mem>>, %arg27: memref<!tpu.dma_semaphore, #tpu.memory_space<semaphore_mem>>, %arg28: memref<!tpu.dma_semaphore, #tpu.memory_space<semaphore_mem>>, %arg29: memref<!tpu.dma_semaphore, #tpu.memory_space<semaphore_mem>>) attributes {dimension_semantics = [#tpu.dimension_semantics<core_parallel>, #tpu.dimension_semantics<subcore_parallel>], iteration_bounds = array<i64: 2, 16>, scalar_prefetch = 0 : i64, scratch_operands = 25 : i64, tpu.core_type = #tpu.core_type<sc_vector_subcore>, window_params = [{transform_indices = #map}, {transform_indices = #map1}, {transform_indices = #map2}]} {
    %mul3A = arith.constant 2 : i32
    %mul3A_0 = arith.muli %arg1, %mul3A : i32
    %add3A = arith.addi %mul3A_0, %arg0 : i32
    %broadcast_in_dim3A = arith.constant 0.000000e+00 : f32
    %broadcast_in_dim3A_1 = vector.broadcast %broadcast_in_dim3A : f32 to vector<16xf32>
    %scan3A = arith.constant 0 : i32
    %scan3A_2 = arith.constant 80 : i32
    %scan3A_3 = arith.addi %scan3A, %scan3A_2 : i32
    %scan3A_4 = arith.constant 1 : i32
    scf.for %scan3A_519 = %scan3A to %scan3A_3 step %scan3A_4  : i32 {
      %mul3A_520 = arith.constant 1 : i32
      %mul3A_521 = arith.muli %scan3A_519, %mul3A_520 : i32
      %add3A_522 = arith.constant 0 : i32
      %add3A_523 = arith.addi %add3A_522, %mul3A_521 : i32
      %swap3A_524 = arith.index_cast %add3A_523 : i32 to index
      %swap3A_525 = arith.constant 0 : index
      %swap3A_526 = tpu.vector_load %arg18[%swap3A_524, %swap3A_525] {strides = array<i32>} : memref<80x128xf32, #tpu.memory_space<vmem>>, vector<1x16xf32>,
      %swap3A_527 = vector.shape_cast %swap3A_526 : vector<1x16xf32> to vector<16xf32>
      %swap3A_528 = vector.shape_cast %broadcast_in_dim3A_1 : vector<16xf32> to vector<1x16xf32>
      tpu.vector_store %arg18[%swap3A_524, %swap3A_525], %swap3A_528 {strides = array<i32>} : memref<80x128xf32, #tpu.memory_space<vmem>>, vector<1x16xf32>,
      %swap3A_529 = arith.index_cast %add3A_523 : i32 to index
      %swap3A_530 = arith.constant 16 : index
      %swap3A_531 = tpu.vector_load %arg18[%swap3A_529, %swap3A_530] {strides = array<i32>} : memref<80x128xf32, #tpu.memory_space<vmem>>, vector<1x16xf32>,
      %swap3A_532 = vector.shape_cast %swap3A_531 : vector<1x16xf32> to vector<16xf32>
      %swap3A_533 = vector.shape_cast %broadcast_in_dim3A_1 : vector<16xf32> to vector<1x16xf32>
      tpu.vector_store %arg18[%swap3A_529, %swap3A_530], %swap3A_533 {strides = array<i32>} : memref<80x128xf32, #tpu.memory_space<vmem>>, vector<1x16xf32>,
      %swap3A_534 = arith.index_cast %add3A_523 : i32 to index
      %swap3A_535 = arith.constant 32 : index
      %swap3A_536 = tpu.vector_load %arg18[%swap3A_534, %swap3A_535] {strides = array<i32>} : memref<80x128xf32, #tpu.memory_space<vmem>>, vector<1x16xf32>,
      %swap3A_537 = vector.shape_cast %swap3A_536 : vector<1x16xf32> to vector<16xf32>
      %swap3A_538 = vector.shape_cast %broadcast_in_dim3A_1 : vector<16xf32> to vector<1x16xf32>
      tpu.vector_store %arg18[%swap3A_534, %swap3A_535], %swap3A_538 {strides = array<i32>} : memref<80x128xf32, #tpu.memory_space<vmem>>, vector<1x16xf32>,
      %swap3A_539 = arith.index_cast %add3A_523 : i32 to index
      %swap3A_540 = arith.constant 48 : index
      %swap3A_541 = tpu.vector_load %arg18[%swap3A_539, %swap3A_540] {strides = array<i32>} : memref<80x128xf32, #tpu.memory_space<vmem>>, vector<1x16xf32>,
      %swap3A_542 = vector.shape_cast %swap3A_541 : vector<1x16xf32> to vector<16xf32>
      %swap3A_543 = vector.shape_cast %broadcast_in_dim3A_1 : vector<16xf32> to vector<1x16xf32>
      tpu.vector_store %arg18[%swap3A_539, %swap3A_540], %swap3A_543 {strides = array<i32>} : memref<80x128xf32, #tpu.memory_space<vmem>>, vector<1x16xf32>,
      %swap3A_544 = arith.index_cast %add3A_523 : i32 to index
      %swap3A_545 = arith.constant 64 : index
      %swap3A_546 = tpu.vector_load %arg18[%swap3A_544, %swap3A_545] {strides = array<i32>} : memref<80x128xf32, #tpu.memory_space<vmem>>, vector<1x16xf32>,
      %swap3A_547 = vector.shape_cast %swap3A_546 : vector<1x16xf32> to vector<16xf32>
      %swap3A_548 = vector.shape_cast %broadcast_in_dim3A_1 : vector<16xf32> to vector<1x16xf32>
      tpu.vector_store %arg18[%swap3A_544, %swap3A_545], %swap3A_548 {strides = array<i32>} : memref<80x128xf32, #tpu.memory_space<vmem>>, vector<1x16xf32>,
      %swap3A_549 = arith.index_cast %add3A_523 : i32 to index
      %swap3A_550 = arith.constant 80 : index
      %swap3A_551 = tpu.vector_load %arg18[%swap3A_549, %swap3A_550] {strides = array<i32>} : memref<80x128xf32, #tpu.memory_space<vmem>>, vector<1x16xf32>,
      %swap3A_552 = vector.shape_cast %swap3A_551 : vector<1x16xf32> to vector<16xf32>
      %swap3A_553 = vector.shape_cast %broadcast_in_dim3A_1 : vector<16xf32> to vector<1x16xf32>
      tpu.vector_store %arg18[%swap3A_549, %swap3A_550], %swap3A_553 {strides = array<i32>} : memref<80x128xf32, #tpu.memory_space<vmem>>, vector<1x16xf32>,
      %swap3A_554 = arith.index_cast %add3A_523 : i32 to index
      %swap3A_555 = arith.constant 96 : index
      %swap3A_556 = tpu.vector_load %arg18[%swap3A_554, %swap3A_555] {strides = array<i32>} : memref<80x128xf32, #tpu.memory_space<vmem>>, vector<1x16xf32>,
      %swap3A_557 = vector.shape_cast %swap3A_556 : vector<1x16xf32> to vector<16xf32>
      %swap3A_558 = vector.shape_cast %broadcast_in_dim3A_1 : vector<16xf32> to vector<1x16xf32>
      tpu.vector_store %arg18[%swap3A_554, %swap3A_555], %swap3A_558 {strides = array<i32>} : memref<80x128xf32, #tpu.memory_space<vmem>>, vector<1x16xf32>,
      %swap3A_559 = arith.index_cast %add3A_523 : i32 to index
      %swap3A_560 = arith.constant 112 : index
      %swap3A_561 = tpu.vector_load %arg18[%swap3A_559, %swap3A_560] {strides = array<i32>} : memref<80x128xf32, #tpu.memory_space<vmem>>, vector<1x16xf32>,
      %swap3A_562 = vector.shape_cast %swap3A_561 : vector<1x16xf32> to vector<16xf32>
      %swap3A_563 = vector.shape_cast %broadcast_in_dim3A_1 : vector<16xf32> to vector<1x16xf32>
      tpu.vector_store %arg18[%swap3A_559, %swap3A_560], %swap3A_563 {strides = array<i32>} : memref<80x128xf32, #tpu.memory_space<vmem>>, vector<1x16xf32>,
    }
    %scan3A_5 = arith.constant 80 : i32
    %mul3A_6 = arith.constant 632 : i32
    %mul3A_7 = arith.muli %arg1, %mul3A_6 : i32
    %multiple_of3A = tpu.assume_multiple %mul3A_7, 8 : i32
    %add3A_8 = arith.constant 0 : i32
    %add3A_9 = arith.addi %multiple_of3A, %add3A_8 : i32
    %dma_start3A = arith.constant 0 : i32
    %dma_start3A_10 = tpu.memref_slice %arg5[%add3A_9, %dma_start3A] : memref<10112x128xf32, #tpu.memory_space<vmem_shared>> -> memref<80x128xf32, #tpu.memory_space<vmem_shared>>
    %dma_start3A_11 = arith.constant 0 : i32
    %dma_start3A_12 = tpu.memref_slice %arg5[%add3A_9, %dma_start3A_11] : memref<10112x128xf32, #tpu.memory_space<vmem_shared>> -> memref<80x128xf32, #tpu.memory_space<vmem_shared>>
    tpu.enqueue_dma source(%arg18 : memref<80x128xf32, #tpu.memory_space<vmem>>) target(%dma_start3A_12 : memref<80x128xf32, #tpu.memory_space<vmem_shared>>) target_semaphore(%arg23 : memref<!tpu.dma_semaphore, #tpu.memory_space<semaphore_mem>>)
    %add3A_13 = arith.constant 80 : i32
    %add3A_14 = arith.addi %multiple_of3A, %add3A_13 : i32
    %dma_start3A_15 = arith.constant 0 : i32
    %dma_start3A_16 = tpu.memref_slice %arg5[%add3A_14, %dma_start3A_15] : memref<10112x128xf32, #tpu.memory_space<vmem_shared>> -> memref<80x128xf32, #tpu.memory_space<vmem_shared>>
    %dma_start3A_17 = arith.constant 0 : i32
    %dma_start3A_18 = tpu.memref_slice %arg5[%add3A_14, %dma_start3A_17] : memref<10112x128xf32, #tpu.memory_space<vmem_shared>> -> memref<80x128xf32, #tpu.memory_space<vmem_shared>>
    tpu.enqueue_dma source(%arg18 : memref<80x128xf32, #tpu.memory_space<vmem>>) target(%dma_start3A_18 : memref<80x128xf32, #tpu.memory_space<vmem_shared>>) target_semaphore(%arg23 : memref<!tpu.dma_semaphore, #tpu.memory_space<semaphore_mem>>)
    %add3A_19 = arith.constant 160 : i32
    %add3A_20 = arith.addi %multiple_of3A, %add3A_19 : i32
    %dma_start3A_21 = arith.constant 0 : i32
    %dma_start3A_22 = tpu.memref_slice %arg5[%add3A_20, %dma_start3A_21] : memref<10112x128xf32, #tpu.memory_space<vmem_shared>> -> memref<80x128xf32, #tpu.memory_space<vmem_shared>>
    %dma_start3A_23 = arith.constant 0 : i32
    %dma_start3A_24 = tpu.memref_slice %arg5[%add3A_20, %dma_start3A_23] : memref<10112x128xf32, #tpu.memory_space<vmem_shared>> -> memref<80x128xf32, #tpu.memory_space<vmem_shared>>
    tpu.enqueue_dma source(%arg18 : memref<80x128xf32, #tpu.memory_space<vmem>>) target(%dma_start3A_24 : memref<80x128xf32, #tpu.memory_space<vmem_shared>>) target_semaphore(%arg23 : memref<!tpu.dma_semaphore, #tpu.memory_space<semaphore_mem>>)
    %add3A_25 = arith.constant 240 : i32
    %add3A_26 = arith.addi %multiple_of3A, %add3A_25 : i32
    %dma_start3A_27 = arith.constant 0 : i32
    %dma_start3A_28 = tpu.memref_slice %arg5[%add3A_26, %dma_start3A_27] : memref<10112x128xf32, #tpu.memory_space<vmem_shared>> -> memref<80x128xf32, #tpu.memory_space<vmem_shared>>
    %dma_start3A_29 = arith.constant 0 : i32
    %dma_start3A_30 = tpu.memref_slice %arg5[%add3A_26, %dma_start3A_29] : memref<10112x128xf32, #tpu.memory_space<vmem_shared>> -> memref<80x128xf32, #tpu.memory_space<vmem_shared>>
    tpu.enqueue_dma source(%arg18 : memref<80x128xf32, #tpu.memory_space<vmem>>) target(%dma_start3A_30 : memref<80x128xf32, #tpu.memory_space<vmem_shared>>) target_semaphore(%arg23 : memref<!tpu.dma_semaphore, #tpu.memory_space<semaphore_mem>>)
    %add3A_31 = arith.constant 320 : i32
    %add3A_32 = arith.addi %multiple_of3A, %add3A_31 : i32
    %dma_start3A_33 = arith.constant 0 : i32
    %dma_start3A_34 = tpu.memref_slice %arg5[%add3A_32, %dma_start3A_33] : memref<10112x128xf32, #tpu.memory_space<vmem_shared>> -> memref<80x128xf32, #tpu.memory_space<vmem_shared>>
    %dma_start3A_35 = arith.constant 0 : i32
    %dma_start3A_36 = tpu.memref_slice %arg5[%add3A_32, %dma_start3A_35] : memref<10112x128xf32, #tpu.memory_space<vmem_shared>> -> memref<80x128xf32, #tpu.memory_space<vmem_shared>>
    tpu.enqueue_dma source(%arg18 : memref<80x128xf32, #tpu.memory_space<vmem>>) target(%dma_start3A_36 : memref<80x128xf32, #tpu.memory_space<vmem_shared>>) target_semaphore(%arg23 : memref<!tpu.dma_semaphore, #tpu.memory_space<semaphore_mem>>)
    %add3A_37 = arith.constant 400 : i32
    %add3A_38 = arith.addi %multiple_of3A, %add3A_37 : i32
    %dma_start3A_39 = arith.constant 0 : i32
    %dma_start3A_40 = tpu.memref_slice %arg5[%add3A_38, %dma_start3A_39] : memref<10112x128xf32, #tpu.memory_space<vmem_shared>> -> memref<80x128xf32, #tpu.memory_space<vmem_shared>>
    %dma_start3A_41 = arith.constant 0 : i32
    %dma_start3A_42 = tpu.memref_slice %arg5[%add3A_38, %dma_start3A_41] : memref<10112x128xf32, #tpu.memory_space<vmem_shared>> -> memref<80x128xf32, #tpu.memory_space<vmem_shared>>
    tpu.enqueue_dma source(%arg18 : memref<80x128xf32, #tpu.memory_space<vmem>>) target(%dma_start3A_42 : memref<80x128xf32, #tpu.memory_space<vmem_shared>>) target_semaphore(%arg23 : memref<!tpu.dma_semaphore, #tpu.memory_space<semaphore_mem>>)
    %add3A_43 = arith.constant 480 : i32
    %add3A_44 = arith.addi %multiple_of3A, %add3A_43 : i32
    %dma_start3A_45 = arith.constant 0 : i32
    %dma_start3A_46 = tpu.memref_slice %arg5[%add3A_44, %dma_start3A_45] : memref<10112x128xf32, #tpu.memory_space<vmem_shared>> -> memref<80x128xf32, #tpu.memory_space<vmem_shared>>
    %dma_start3A_47 = arith.constant 0 : i32
    %dma_start3A_48 = tpu.memref_slice %arg5[%add3A_44, %dma_start3A_47] : memref<10112x128xf32, #tpu.memory_space<vmem_shared>> -> memref<80x128xf32, #tpu.memory_space<vmem_shared>>
    tpu.enqueue_dma source(%arg18 : memref<80x128xf32, #tpu.memory_space<vmem>>) target(%dma_start3A_48 : memref<80x128xf32, #tpu.memory_space<vmem_shared>>) target_semaphore(%arg23 : memref<!tpu.dma_semaphore, #tpu.memory_space<semaphore_mem>>)
    %add3A_49 = arith.constant 560 : i32
    %add3A_50 = arith.addi %multiple_of3A, %add3A_49 : i32
    %dma_start3A_51 = arith.constant 0 : i32
    %dma_start3A_52 = arith.constant 0 : i32
    %dma_start3A_53 = tpu.memref_slice %arg18[%dma_start3A_51, %dma_start3A_52] : memref<80x128xf32, #tpu.memory_space<vmem>> -> memref<72x128xf32, #tpu.memory_space<vmem>>
    %dma_start3A_54 = arith.constant 0 : i32
    %dma_start3A_55 = tpu.memref_slice %arg5[%add3A_50, %dma_start3A_54] : memref<10112x128xf32, #tpu.memory_space<vmem_shared>> -> memref<72x128xf32, #tpu.memory_space<vmem_shared>>
    %dma_start3A_56 = arith.constant 0 : i32
    %dma_start3A_57 = tpu.memref_slice %arg5[%add3A_50, %dma_start3A_56] : memref<10112x128xf32, #tpu.memory_space<vmem_shared>> -> memref<72x128xf32, #tpu.memory_space<vmem_shared>>
    %dma_start3A_58 = arith.constant 0 : i32
    %dma_start3A_59 = arith.constant 0 : i32
    %dma_start3A_60 = tpu.memref_slice %arg18[%dma_start3A_58, %dma_start3A_59] : memref<80x128xf32, #tpu.memory_space<vmem>> -> memref<72x128xf32, #tpu.memory_space<vmem>>
    tpu.enqueue_dma source(%dma_start3A_60 : memref<72x128xf32, #tpu.memory_space<vmem>>) target(%dma_start3A_57 : memref<72x128xf32, #tpu.memory_space<vmem_shared>>) target_semaphore(%arg23 : memref<!tpu.dma_semaphore, #tpu.memory_space<semaphore_mem>>)
    %dma_wait3A = arith.constant 0 : i32
    %dma_wait3A_61 = tpu.memref_slice %arg5[%multiple_of3A, %dma_wait3A] : memref<10112x128xf32, #tpu.memory_space<vmem_shared>> -> memref<80x128xf32, #tpu.memory_space<vmem_shared>>
    %dma_wait3A_62 = arith.constant 0 : i32
    %dma_wait3A_63 = tpu.memref_slice %arg5[%multiple_of3A, %dma_wait3A_62] : memref<10112x128xf32, #tpu.memory_space<vmem_shared>> -> memref<80x128xf32, #tpu.memory_space<vmem_shared>>
    tpu.wait_dma2 semaphore(%arg23 : memref<!tpu.dma_semaphore, #tpu.memory_space<semaphore_mem>>) src(%arg18 : memref<80x128xf32, #tpu.memory_space<vmem>>) dst(%dma_wait3A_63 : memref<80x128xf32, #tpu.memory_space<vmem_shared>>)
    %dma_wait3A_64 = arith.constant 0 : i32
    %dma_wait3A_65 = tpu.memref_slice %arg5[%multiple_of3A, %dma_wait3A_64] : memref<10112x128xf32, #tpu.memory_space<vmem_shared>> -> memref<80x128xf32, #tpu.memory_space<vmem_shared>>
    %dma_wait3A_66 = arith.constant 0 : i32
    %dma_wait3A_67 = tpu.memref_slice %arg5[%multiple_of3A, %dma_wait3A_66] : memref<10112x128xf32, #tpu.memory_space<vmem_shared>> -> memref<80x128xf32, #tpu.memory_space<vmem_shared>>
    tpu.wait_dma2 semaphore(%arg23 : memref<!tpu.dma_semaphore, #tpu.memory_space<semaphore_mem>>) src(%arg18 : memref<80x128xf32, #tpu.memory_space<vmem>>) dst(%dma_wait3A_67 : memref<80x128xf32, #tpu.memory_space<vmem_shared>>)
    %dma_wait3A_68 = arith.constant 0 : i32
    %dma_wait3A_69 = tpu.memref_slice %arg5[%multiple_of3A, %dma_wait3A_68] : memref<10112x128xf32, #tpu.memory_space<vmem_shared>> -> memref<80x128xf32, #tpu.memory_space<vmem_shared>>
    %dma_wait3A_70 = arith.constant 0 : i32
    %dma_wait3A_71 = tpu.memref_slice %arg5[%multiple_of3A, %dma_wait3A_70] : memref<10112x128xf32, #tpu.memory_space<vmem_shared>> -> memref<80x128xf32, #tpu.memory_space<vmem_shared>>
    tpu.wait_dma2 semaphore(%arg23 : memref<!tpu.dma_semaphore, #tpu.memory_space<semaphore_mem>>) src(%arg18 : memref<80x128xf32, #tpu.memory_space<vmem>>) dst(%dma_wait3A_71 : memref<80x128xf32, #tpu.memory_space<vmem_shared>>)
    %dma_wait3A_72 = arith.constant 0 : i32
    %dma_wait3A_73 = tpu.memref_slice %arg5[%multiple_of3A, %dma_wait3A_72] : memref<10112x128xf32, #tpu.memory_space<vmem_shared>> -> memref<80x128xf32, #tpu.memory_space<vmem_shared>>
    %dma_wait3A_74 = arith.constant 0 : i32
    %dma_wait3A_75 = tpu.memref_slice %arg5[%multiple_of3A, %dma_wait3A_74] : memref<10112x128xf32, #tpu.memory_space<vmem_shared>> -> memref<80x128xf32, #tpu.memory_space<vmem_shared>>
    tpu.wait_dma2 semaphore(%arg23 : memref<!tpu.dma_semaphore, #tpu.memory_space<semaphore_mem>>) src(%arg18 : memref<80x128xf32, #tpu.memory_space<vmem>>) dst(%dma_wait3A_75 : memref<80x128xf32, #tpu.memory_space<vmem_shared>>)
    %dma_wait3A_76 = arith.constant 0 : i32
    %dma_wait3A_77 = tpu.memref_slice %arg5[%multiple_of3A, %dma_wait3A_76] : memref<10112x128xf32, #tpu.memory_space<vmem_shared>> -> memref<80x128xf32, #tpu.memory_space<vmem_shared>>
    %dma_wait3A_78 = arith.constant 0 : i32
    %dma_wait3A_79 = tpu.memref_slice %arg5[%multiple_of3A, %dma_wait3A_78] : memref<10112x128xf32, #tpu.memory_space<vmem_shared>> -> memref<80x128xf32, #tpu.memory_space<vmem_shared>>
    tpu.wait_dma2 semaphore(%arg23 : memref<!tpu.dma_semaphore, #tpu.memory_space<semaphore_mem>>) src(%arg18 : memref<80x128xf32, #tpu.memory_space<vmem>>) dst(%dma_wait3A_79 : memref<80x128xf32, #tpu.memory_space<vmem_shared>>)
    %dma_wait3A_80 = arith.constant 0 : i32
    %dma_wait3A_81 = tpu.memref_slice %arg5[%multiple_of3A, %dma_wait3A_80] : memref<10112x128xf32, #tpu.memory_space<vmem_shared>> -> memref<80x128xf32, #tpu.memory_space<vmem_shared>>
    %dma_wait3A_82 = arith.constant 0 : i32
    %dma_wait3A_83 = tpu.memref_slice %arg5[%multiple_of3A, %dma_wait3A_82] : memref<10112x128xf32, #tpu.memory_space<vmem_shared>> -> memref<80x128xf32, #tpu.memory_space<vmem_shared>>
    tpu.wait_dma2 semaphore(%arg23 : memref<!tpu.dma_semaphore, #tpu.memory_space<semaphore_mem>>) src(%arg18 : memref<80x128xf32, #tpu.memory_space<vmem>>) dst(%dma_wait3A_83 : memref<80x128xf32, #tpu.memory_space<vmem_shared>>)
    %dma_wait3A_84 = arith.constant 0 : i32
    %dma_wait3A_85 = tpu.memref_slice %arg5[%multiple_of3A, %dma_wait3A_84] : memref<10112x128xf32, #tpu.memory_space<vmem_shared>> -> memref<80x128xf32, #tpu.memory_space<vmem_shared>>
    %dma_wait3A_86 = arith.constant 0 : i32
    %dma_wait3A_87 = tpu.memref_slice %arg5[%multiple_of3A, %dma_wait3A_86] : memref<10112x128xf32, #tpu.memory_space<vmem_shared>> -> memref<80x128xf32, #tpu.memory_space<vmem_shared>>
    tpu.wait_dma2 semaphore(%arg23 : memref<!tpu.dma_semaphore, #tpu.memory_space<semaphore_mem>>) src(%arg18 : memref<80x128xf32, #tpu.memory_space<vmem>>) dst(%dma_wait3A_87 : memref<80x128xf32, #tpu.memory_space<vmem_shared>>)
    %dma_wait3A_88 = arith.constant 0 : i32
    %dma_wait3A_89 = arith.constant 0 : i32
    %dma_wait3A_90 = tpu.memref_slice %arg18[%dma_wait3A_88, %dma_wait3A_89] : memref<80x128xf32, #tpu.memory_space<vmem>> -> memref<72x128xf32, #tpu.memory_space<vmem>>
    %dma_wait3A_91 = arith.constant 0 : i32
    %dma_wait3A_92 = tpu.memref_slice %arg5[%multiple_of3A, %dma_wait3A_91] : memref<10112x128xf32, #tpu.memory_space<vmem_shared>> -> memref<72x128xf32, #tpu.memory_space<vmem_shared>>
    %dma_wait3A_93 = arith.constant 0 : i32
    %dma_wait3A_94 = tpu.memref_slice %arg5[%multiple_of3A, %dma_wait3A_93] : memref<10112x128xf32, #tpu.memory_space<vmem_shared>> -> memref<72x128xf32, #tpu.memory_space<vmem_shared>>
    %dma_wait3A_95 = arith.constant 0 : i32
    %dma_wait3A_96 = arith.constant 0 : i32
    %dma_wait3A_97 = tpu.memref_slice %arg18[%dma_wait3A_95, %dma_wait3A_96] : memref<80x128xf32, #tpu.memory_space<vmem>> -> memref<72x128xf32, #tpu.memory_space<vmem>>
    tpu.wait_dma2 semaphore(%arg23 : memref<!tpu.dma_semaphore, #tpu.memory_space<semaphore_mem>>) src(%dma_wait3A_97 : memref<72x128xf32, #tpu.memory_space<vmem>>) dst(%dma_wait3A_94 : memref<72x128xf32, #tpu.memory_space<vmem_shared>>)
    %barrier3A = arith.constant 0 : index
    tpu.barrier barrier_id(%barrier3A)
    %multiple_of3A_98 = arith.constant 10032 : i32
    %multiple_of3A_99 = tpu.assume_multiple %multiple_of3A_98, 8 : i32
    %dma_start3A_100 = arith.constant 0 : i32
    %dma_start3A_101 = tpu.memref_slice %arg5[%multiple_of3A_99, %dma_start3A_100] : memref<10112x128xf32, #tpu.memory_space<vmem_shared>> -> memref<80x128xf32, #tpu.memory_space<vmem_shared>>
    %dma_start3A_102 = arith.constant 0 : i32
    %dma_start3A_103 = tpu.memref_slice %arg5[%multiple_of3A_99, %dma_start3A_102] : memref<10112x128xf32, #tpu.memory_space<vmem_shared>> -> memref<80x128xf32, #tpu.memory_space<vmem_shared>>
    tpu.enqueue_dma source(%arg18 : memref<80x128xf32, #tpu.memory_space<vmem>>) target(%dma_start3A_103 : memref<80x128xf32, #tpu.memory_space<vmem_shared>>) target_semaphore(%arg25 : memref<!tpu.dma_semaphore, #tpu.memory_space<semaphore_mem>>)
    %dma_start3A_104 = arith.constant 0 : i32
    %dma_start3A_105 = tpu.memref_slice %arg5[%multiple_of3A_99, %dma_start3A_104] : memref<10112x128xf32, #tpu.memory_space<vmem_shared>> -> memref<80x128xf32, #tpu.memory_space<vmem_shared>>
    %dma_start3A_106 = arith.constant 0 : i32
    %dma_start3A_107 = tpu.memref_slice %arg5[%multiple_of3A_99, %dma_start3A_106] : memref<10112x128xf32, #tpu.memory_space<vmem_shared>> -> memref<80x128xf32, #tpu.memory_space<vmem_shared>>
    tpu.enqueue_dma source(%arg19 : memref<80x128xf32, #tpu.memory_space<vmem>>) target(%dma_start3A_107 : memref<80x128xf32, #tpu.memory_space<vmem_shared>>) target_semaphore(%arg26 : memref<!tpu.dma_semaphore, #tpu.memory_space<semaphore_mem>>)
    %dma_start3A_108 = arith.constant 0 : i32
    %dma_start3A_109 = tpu.memref_slice %arg5[%multiple_of3A_99, %dma_start3A_108] : memref<10112x128xf32, #tpu.memory_space<vmem_shared>> -> memref<80x128xf32, #tpu.memory_space<vmem_shared>>
    %dma_start3A_110 = arith.constant 0 : i32
    %dma_start3A_111 = tpu.memref_slice %arg5[%multiple_of3A_99, %dma_start3A_110] : memref<10112x128xf32, #tpu.memory_space<vmem_shared>> -> memref<80x128xf32, #tpu.memory_space<vmem_shared>>
    tpu.enqueue_dma source(%arg20 : memref<80x128xf32, #tpu.memory_space<vmem>>) target(%dma_start3A_111 : memref<80x128xf32, #tpu.memory_space<vmem_shared>>) target_semaphore(%arg27 : memref<!tpu.dma_semaphore, #tpu.memory_space<semaphore_mem>>)
    %dma_start3A_112 = arith.constant 0 : i32
    %dma_start3A_113 = arith.constant 0 : i32
    %dma_start3A_114 = tpu.memref_slice %arg2[%dma_start3A_112, %dma_start3A_113] : memref<10000x128xf32, #tpu.memory_space<hbm>> -> memref<80x128xf32, #tpu.memory_space<hbm>>
    %dma_start3A_115 = arith.constant 0 : i32
    %dma_start3A_116 = arith.constant 0 : i32
    %dma_start3A_117 = tpu.memref_slice %arg2[%dma_start3A_115, %dma_start3A_116] : memref<10000x128xf32, #tpu.memory_space<hbm>> -> memref<80x128xf32, #tpu.memory_space<hbm>>
    tpu.enqueue_dma source(%dma_start3A_117 : memref<80x128xf32, #tpu.memory_space<hbm>>) target(%arg20 : memref<80x128xf32, #tpu.memory_space<vmem>>) target_semaphore(%arg24 : memref<!tpu.dma_semaphore, #tpu.memory_space<semaphore_mem>>)
    %iota3A = tpu.iota {dimensions = array<i32: 0>} : vector<16xi32>
    %add3A_118 = arith.constant 0 : i32
    %add3A_119 = vector.broadcast %add3A_118 : i32 to vector<16xi32>
    %add3A_120 = arith.addi %add3A_119, %iota3A : vector<16xi32>
    %jit3A = arith.constant 112 : i32
    %eq3A = arith.constant 0 : i32
    %eq3A_121 = arith.cmpi eq, %jit3A, %eq3A : i32
    %jit3A_122 = arith.constant 1 : i32
    %select_n3A = arith.select %eq3A_121, %jit3A_122, %jit3A : i32
    %rem3A = vector.broadcast %select_n3A : i32 to vector<16xi32>
    %rem3A_123 = arith.remsi %add3A_120, %rem3A : vector<16xi32>
    %ne3A = arith.constant 0 : i32
    %ne3A_124 = vector.broadcast %ne3A : i32 to vector<16xi32>
    %ne3A_125 = arith.cmpi ne, %rem3A_123, %ne3A_124 : vector<16xi32>
    %lt3A = arith.constant 0 : i32
    %lt3A_126 = vector.broadcast %lt3A : i32 to vector<16xi32>
    %lt3A_127 = arith.cmpi slt, %rem3A_123, %lt3A_126 : vector<16xi32>
    %lt3A_128 = arith.constant 0 : i32
    %lt3A_129 = arith.cmpi slt, %select_n3A, %lt3A_128 : i32
    %ne3A_130 = vector.broadcast %lt3A_129 : i1 to vector<16xi1>
    %ne3A_131 = vector.broadcast %ne3A_130 : vector<16xi1> to vector<16xi1>
    %ne3A_132 = arith.xori %lt3A_127, %ne3A_131 : vector<16xi1>
    %and3A = arith.andi %ne3A_132, %ne3A_125 : vector<16xi1>
    %add3A_133 = vector.broadcast %select_n3A : i32 to vector<16xi32>
    %add3A_134 = arith.addi %rem3A_123, %add3A_133 : vector<16xi32>
    %select_n3A_135 = arith.select %and3A, %add3A_134, %rem3A_123 : vector<16xi1>, vector<16xi32>
    %add3A_136 = arith.constant 10000 : i32
    %add3A_137 = vector.broadcast %add3A_136 : i32 to vector<16xi32>
    %add3A_138 = arith.addi %add3A_137, %select_n3A_135 : vector<16xi32>
    %swap3A = arith.constant 0 : index
    %swap3A_139 = tpu.vector_load %arg17[%swap3A] {strides = array<i32>} : memref<80xi32, #tpu.memory_space<vmem>>, vector<16xi32>,
    %swap3A_140 = vector.shape_cast %swap3A_139 : vector<16xi32> to vector<16xi32>
    %swap3A_141 = vector.shape_cast %add3A_138 : vector<16xi32> to vector<16xi32>
    tpu.vector_store %arg17[%swap3A], %swap3A_141 {strides = array<i32>} : memref<80xi32, #tpu.memory_space<vmem>>, vector<16xi32>,
    %add3A_142 = arith.constant 16 : i32
    %add3A_143 = vector.broadcast %add3A_142 : i32 to vector<16xi32>
    %add3A_144 = arith.addi %add3A_143, %iota3A : vector<16xi32>
    %jit3A_145 = arith.constant 112 : i32
    %eq3A_146 = arith.constant 0 : i32
    %eq3A_147 = arith.cmpi eq, %jit3A_145, %eq3A_146 : i32
    %jit3A_148 = arith.constant 1 : i32
    %select_n3A_149 = arith.select %eq3A_147, %jit3A_148, %jit3A_145 : i32
    %rem3A_150 = vector.broadcast %select_n3A_149 : i32 to vector<16xi32>
    %rem3A_151 = arith.remsi %add3A_144, %rem3A_150 : vector<16xi32>
    %ne3A_152 = arith.constant 0 : i32
    %ne3A_153 = vector.broadcast %ne3A_152 : i32 to vector<16xi32>
    %ne3A_154 = arith.cmpi ne, %rem3A_151, %ne3A_153 : vector<16xi32>
    %lt3A_155 = arith.constant 0 : i32
    %lt3A_156 = vector.broadcast %lt3A_155 : i32 to vector<16xi32>
    %lt3A_157 = arith.cmpi slt, %rem3A_151, %lt3A_156 : vector<16xi32>
    %lt3A_158 = arith.constant 0 : i32
    %lt3A_159 = arith.cmpi slt, %select_n3A_149, %lt3A_158 : i32
    %ne3A_160 = vector.broadcast %lt3A_159 : i1 to vector<16xi1>
    %ne3A_161 = vector.broadcast %ne3A_160 : vector<16xi1> to vector<16xi1>
    %ne3A_162 = arith.xori %lt3A_157, %ne3A_161 : vector<16xi1>
    %and3A_163 = arith.andi %ne3A_162, %ne3A_154 : vector<16xi1>
    %add3A_164 = vector.broadcast %select_n3A_149 : i32 to vector<16xi32>
    %add3A_165 = arith.addi %rem3A_151, %add3A_164 : vector<16xi32>
    %select_n3A_166 = arith.select %and3A_163, %add3A_165, %rem3A_151 : vector<16xi1>, vector<16xi32>
    %add3A_167 = arith.constant 10000 : i32
    %add3A_168 = vector.broadcast %add3A_167 : i32 to vector<16xi32>
    %add3A_169 = arith.addi %add3A_168, %select_n3A_166 : vector<16xi32>
    %swap3A_170 = arith.constant 16 : index
    %swap3A_171 = tpu.vector_load %arg17[%swap3A_170] {strides = array<i32>} : memref<80xi32, #tpu.memory_space<vmem>>, vector<16xi32>,
    %swap3A_172 = vector.shape_cast %swap3A_171 : vector<16xi32> to vector<16xi32>
    %swap3A_173 = vector.shape_cast %add3A_169 : vector<16xi32> to vector<16xi32>
    tpu.vector_store %arg17[%swap3A_170], %swap3A_173 {strides = array<i32>} : memref<80xi32, #tpu.memory_space<vmem>>, vector<16xi32>,
    %add3A_174 = arith.constant 32 : i32
    %add3A_175 = vector.broadcast %add3A_174 : i32 to vector<16xi32>
    %add3A_176 = arith.addi %add3A_175, %iota3A : vector<16xi32>
    %jit3A_177 = arith.constant 112 : i32
    %eq3A_178 = arith.constant 0 : i32
    %eq3A_179 = arith.cmpi eq, %jit3A_177, %eq3A_178 : i32
    %jit3A_180 = arith.constant 1 : i32
    %select_n3A_181 = arith.select %eq3A_179, %jit3A_180, %jit3A_177 : i32
    %rem3A_182 = vector.broadcast %select_n3A_181 : i32 to vector<16xi32>
    %rem3A_183 = arith.remsi %add3A_176, %rem3A_182 : vector<16xi32>
    %ne3A_184 = arith.constant 0 : i32
    %ne3A_185 = vector.broadcast %ne3A_184 : i32 to vector<16xi32>
    %ne3A_186 = arith.cmpi ne, %rem3A_183, %ne3A_185 : vector<16xi32>
    %lt3A_187 = arith.constant 0 : i32
    %lt3A_188 = vector.broadcast %lt3A_187 : i32 to vector<16xi32>
    %lt3A_189 = arith.cmpi slt, %rem3A_183, %lt3A_188 : vector<16xi32>
    %lt3A_190 = arith.constant 0 : i32
    %lt3A_191 = arith.cmpi slt, %select_n3A_181, %lt3A_190 : i32
    %ne3A_192 = vector.broadcast %lt3A_191 : i1 to vector<16xi1>
    %ne3A_193 = vector.broadcast %ne3A_192 : vector<16xi1> to vector<16xi1>
    %ne3A_194 = arith.xori %lt3A_189, %ne3A_193 : vector<16xi1>
    %and3A_195 = arith.andi %ne3A_194, %ne3A_186 : vector<16xi1>
    %add3A_196 = vector.broadcast %select_n3A_181 : i32 to vector<16xi32>
    %add3A_197 = arith.addi %rem3A_183, %add3A_196 : vector<16xi32>
    %select_n3A_198 = arith.select %and3A_195, %add3A_197, %rem3A_183 : vector<16xi1>, vector<16xi32>
    %add3A_199 = arith.constant 10000 : i32
    %add3A_200 = vector.broadcast %add3A_199 : i32 to vector<16xi32>
    %add3A_201 = arith.addi %add3A_200, %select_n3A_198 : vector<16xi32>
    %swap3A_202 = arith.constant 32 : index
    %swap3A_203 = tpu.vector_load %arg17[%swap3A_202] {strides = array<i32>} : memref<80xi32, #tpu.memory_space<vmem>>, vector<16xi32>,
    %swap3A_204 = vector.shape_cast %swap3A_203 : vector<16xi32> to vector<16xi32>
    %swap3A_205 = vector.shape_cast %add3A_201 : vector<16xi32> to vector<16xi32>
    tpu.vector_store %arg17[%swap3A_202], %swap3A_205 {strides = array<i32>} : memref<80xi32, #tpu.memory_space<vmem>>, vector<16xi32>,
    %add3A_206 = arith.constant 48 : i32
    %add3A_207 = vector.broadcast %add3A_206 : i32 to vector<16xi32>
    %add3A_208 = arith.addi %add3A_207, %iota3A : vector<16xi32>
    %jit3A_209 = arith.constant 112 : i32
    %eq3A_210 = arith.constant 0 : i32
    %eq3A_211 = arith.cmpi eq, %jit3A_209, %eq3A_210 : i32
    %jit3A_212 = arith.constant 1 : i32
    %select_n3A_213 = arith.select %eq3A_211, %jit3A_212, %jit3A_209 : i32
    %rem3A_214 = vector.broadcast %select_n3A_213 : i32 to vector<16xi32>
    %rem3A_215 = arith.remsi %add3A_208, %rem3A_214 : vector<16xi32>
    %ne3A_216 = arith.constant 0 : i32
    %ne3A_217 = vector.broadcast %ne3A_216 : i32 to vector<16xi32>
    %ne3A_218 = arith.cmpi ne, %rem3A_215, %ne3A_217 : vector<16xi32>
    %lt3A_219 = arith.constant 0 : i32
    %lt3A_220 = vector.broadcast %lt3A_219 : i32 to vector<16xi32>
    %lt3A_221 = arith.cmpi slt, %rem3A_215, %lt3A_220 : vector<16xi32>
    %lt3A_222 = arith.constant 0 : i32
    %lt3A_223 = arith.cmpi slt, %select_n3A_213, %lt3A_222 : i32
    %ne3A_224 = vector.broadcast %lt3A_223 : i1 to vector<16xi1>
    %ne3A_225 = vector.broadcast %ne3A_224 : vector<16xi1> to vector<16xi1>
    %ne3A_226 = arith.xori %lt3A_221, %ne3A_225 : vector<16xi1>
    %and3A_227 = arith.andi %ne3A_226, %ne3A_218 : vector<16xi1>
    %add3A_228 = vector.broadcast %select_n3A_213 : i32 to vector<16xi32>
    %add3A_229 = arith.addi %rem3A_215, %add3A_228 : vector<16xi32>
    %select_n3A_230 = arith.select %and3A_227, %add3A_229, %rem3A_215 : vector<16xi1>, vector<16xi32>
    %add3A_231 = arith.constant 10000 : i32
    %add3A_232 = vector.broadcast %add3A_231 : i32 to vector<16xi32>
    %add3A_233 = arith.addi %add3A_232, %select_n3A_230 : vector<16xi32>
    %swap3A_234 = arith.constant 48 : index
    %swap3A_235 = tpu.vector_load %arg17[%swap3A_234] {strides = array<i32>} : memref<80xi32, #tpu.memory_space<vmem>>, vector<16xi32>,
    %swap3A_236 = vector.shape_cast %swap3A_235 : vector<16xi32> to vector<16xi32>
    %swap3A_237 = vector.shape_cast %add3A_233 : vector<16xi32> to vector<16xi32>
    tpu.vector_store %arg17[%swap3A_234], %swap3A_237 {strides = array<i32>} : memref<80xi32, #tpu.memory_space<vmem>>, vector<16xi32>,
    %add3A_238 = arith.constant 64 : i32
    %add3A_239 = vector.broadcast %add3A_238 : i32 to vector<16xi32>
    %add3A_240 = arith.addi %add3A_239, %iota3A : vector<16xi32>
    %jit3A_241 = arith.constant 112 : i32
    %eq3A_242 = arith.constant 0 : i32
    %eq3A_243 = arith.cmpi eq, %jit3A_241, %eq3A_242 : i32
    %jit3A_244 = arith.constant 1 : i32
    %select_n3A_245 = arith.select %eq3A_243, %jit3A_244, %jit3A_241 : i32
    %rem3A_246 = vector.broadcast %select_n3A_245 : i32 to vector<16xi32>
    %rem3A_247 = arith.remsi %add3A_240, %rem3A_246 : vector<16xi32>
    %ne3A_248 = arith.constant 0 : i32
    %ne3A_249 = vector.broadcast %ne3A_248 : i32 to vector<16xi32>
    %ne3A_250 = arith.cmpi ne, %rem3A_247, %ne3A_249 : vector<16xi32>
    %lt3A_251 = arith.constant 0 : i32
    %lt3A_252 = vector.broadcast %lt3A_251 : i32 to vector<16xi32>
    %lt3A_253 = arith.cmpi slt, %rem3A_247, %lt3A_252 : vector<16xi32>
    %lt3A_254 = arith.constant 0 : i32
    %lt3A_255 = arith.cmpi slt, %select_n3A_245, %lt3A_254 : i32
    %ne3A_256 = vector.broadcast %lt3A_255 : i1 to vector<16xi1>
    %ne3A_257 = vector.broadcast %ne3A_256 : vector<16xi1> to vector<16xi1>
    %ne3A_258 = arith.xori %lt3A_253, %ne3A_257 : vector<16xi1>
    %and3A_259 = arith.andi %ne3A_258, %ne3A_250 : vector<16xi1>
    %add3A_260 = vector.broadcast %select_n3A_245 : i32 to vector<16xi32>
    %add3A_261 = arith.addi %rem3A_247, %add3A_260 : vector<16xi32>
    %select_n3A_262 = arith.select %and3A_259, %add3A_261, %rem3A_247 : vector<16xi1>, vector<16xi32>
    %add3A_263 = arith.constant 10000 : i32
    %add3A_264 = vector.broadcast %add3A_263 : i32 to vector<16xi32>
    %add3A_265 = arith.addi %add3A_264, %select_n3A_262 : vector<16xi32>
    %swap3A_266 = arith.constant 64 : index
    %swap3A_267 = tpu.vector_load %arg17[%swap3A_266] {strides = array<i32>} : memref<80xi32, #tpu.memory_space<vmem>>, vector<16xi32>,
    %swap3A_268 = vector.shape_cast %swap3A_267 : vector<16xi32> to vector<16xi32>
    %swap3A_269 = vector.shape_cast %add3A_265 : vector<16xi32> to vector<16xi32>
    tpu.vector_store %arg17[%swap3A_266], %swap3A_269 {strides = array<i32>} : memref<80xi32, #tpu.memory_space<vmem>>, vector<16xi32>,
    %mul3A_270 = arith.constant 10000 : i32
    %mul3A_271 = arith.muli %add3A, %mul3A_270 : i32
    %dma_start3A_272 = tpu.memref_slice %arg3[%mul3A_271] : memref<640000xi32, #tpu.memory_space<hbm>> -> memref<80xi32, #tpu.memory_space<hbm>>
    %dma_start3A_273 = tpu.memref_slice %arg3[%mul3A_271] : memref<640000xi32, #tpu.memory_space<hbm>> -> memref<80xi32, #tpu.memory_space<hbm>>
    tpu.enqueue_dma source(%dma_start3A_273 : memref<80xi32, #tpu.memory_space<hbm>>) target(%arg6 : memref<80xi32, #tpu.memory_space<vmem>>) target_semaphore(%arg28 : memref<!tpu.dma_semaphore, #tpu.memory_space<semaphore_mem>>)
    %add3A_274 = arith.constant 320000 : i32
    %add3A_275 = arith.addi %add3A_274, %mul3A_271 : i32
    %dma_start3A_276 = tpu.memref_slice %arg3[%add3A_275] : memref<640000xi32, #tpu.memory_space<hbm>> -> memref<80xi32, #tpu.memory_space<hbm>>
    %dma_start3A_277 = tpu.memref_slice %arg3[%add3A_275] : memref<640000xi32, #tpu.memory_space<hbm>> -> memref<80xi32, #tpu.memory_space<hbm>>
    tpu.enqueue_dma source(%dma_start3A_277 : memref<80xi32, #tpu.memory_space<hbm>>) target(%arg12 : memref<80xi32, #tpu.memory_space<vmem>>) target_semaphore(%arg28 : memref<!tpu.dma_semaphore, #tpu.memory_space<semaphore_mem>>)
    %scan3A_278 = arith.constant 0 : i32
    %scan3A_279 = arith.constant 20 : i32
    %scan3A_280 = arith.addi %scan3A_278, %scan3A_279 : i32
    %scan3A_281 = arith.constant 1 : i32
    scf.for %scan3A_519 = %scan3A_278 to %scan3A_280 step %scan3A_281  : i32 {
      %mul3A_520 = arith.constant 1 : i32
      %mul3A_521 = arith.muli %scan3A_519, %mul3A_520 : i32
      %add3A_522 = arith.constant 0 : i32
      %add3A_523 = arith.addi %add3A_522, %mul3A_521 : i32
      %mul3A_524 = arith.constant 6 : i32
      %mul3A_525 = arith.muli %add3A_523, %mul3A_524 : i32
      %add3A_526 = arith.constant 0 : i32
      %add3A_527 = arith.addi %mul3A_525, %add3A_526 : i32
      %dma_wait3A_528 = arith.constant 0 : i32
      %dma_wait3A_529 = arith.constant 0 : i32
      %dma_wait3A_530 = tpu.memref_slice %arg2[%dma_wait3A_528, %dma_wait3A_529] : memref<10000x128xf32, #tpu.memory_space<hbm>> -> memref<80x128xf32, #tpu.memory_space<hbm>>
      %dma_wait3A_531 = arith.constant 0 : i32
      %dma_wait3A_532 = arith.constant 0 : i32
      %dma_wait3A_533 = tpu.memref_slice %arg2[%dma_wait3A_531, %dma_wait3A_532] : memref<10000x128xf32, #tpu.memory_space<hbm>> -> memref<80x128xf32, #tpu.memory_space<hbm>>
      tpu.wait_dma2 semaphore(%arg25 : memref<!tpu.dma_semaphore, #tpu.memory_space<semaphore_mem>>) src(%dma_wait3A_533 : memref<80x128xf32, #tpu.memory_space<hbm>>) dst(%arg18 : memref<80x128xf32, #tpu.memory_space<vmem>>)
      %add3A_534 = arith.constant 1 : i32
      %add3A_535 = arith.addi %add3A_527, %add3A_534 : i32
      %min3A_536 = arith.constant 124 : i32
      %min3A_537 = arith.minsi %add3A_535, %min3A_536 : i32
      %mul3A_538 = arith.constant 80 : i32
      %mul3A_539 = arith.muli %min3A_537, %mul3A_538 : i32
      %add3A_540 = arith.addi %mul3A_271, %mul3A_539 : i32
      %multiple_of3A_541 = tpu.assume_multiple %add3A_540, 8 : i32
      %dma_start3A_542 = tpu.memref_slice %arg3[%multiple_of3A_541] : memref<640000xi32, #tpu.memory_space<hbm>> -> memref<80xi32, #tpu.memory_space<hbm>>
      %dma_start3A_543 = tpu.memref_slice %arg3[%multiple_of3A_541] : memref<640000xi32, #tpu.memory_space<hbm>> -> memref<80xi32, #tpu.memory_space<hbm>>
      tpu.enqueue_dma source(%dma_start3A_543 : memref<80xi32, #tpu.memory_space<hbm>>) target(%arg7 : memref<80xi32, #tpu.memory_space<vmem>>) target_semaphore(%arg29 : memref<!tpu.dma_semaphore, #tpu.memory_space<semaphore_mem>>)
      %add3A_544 = arith.constant 320000 : i32
      %add3A_545 = arith.addi %add3A_544, %multiple_of3A_541 : i32
      %dma_start3A_546 = tpu.memref_slice %arg3[%add3A_545] : memref<640000xi32, #tpu.memory_space<hbm>> -> memref<80xi32, #tpu.memory_space<hbm>>
      %dma_start3A_547 = tpu.memref_slice %arg3[%add3A_545] : memref<640000xi32, #tpu.memory_space<hbm>> -> memref<80xi32, #tpu.memory_space<hbm>>
      tpu.enqueue_dma source(%dma_start3A_547 : memref<80xi32, #tpu.memory_space<hbm>>) target(%arg13 : memref<80xi32, #tpu.memory_space<vmem>>) target_semaphore(%arg29 : memref<!tpu.dma_semaphore, #tpu.memory_space<semaphore_mem>>)
      %dma_wait3A_548 = arith.constant 0 : i32
      %dma_wait3A_549 = tpu.memref_slice %arg3[%dma_wait3A_548] : memref<640000xi32, #tpu.memory_space<hbm>> -> memref<80xi32, #tpu.memory_space<hbm>>
      %dma_wait3A_550 = arith.constant 0 : i32
      %dma_wait3A_551 = tpu.memref_slice %arg3[%dma_wait3A_550] : memref<640000xi32, #tpu.memory_space<hbm>> -> memref<80xi32, #tpu.memory_space<hbm>>
      tpu.wait_dma2 semaphore(%arg28 : memref<!tpu.dma_semaphore, #tpu.memory_space<semaphore_mem>>) src(%dma_wait3A_551 : memref<80xi32, #tpu.memory_space<hbm>>) dst(%arg12 : memref<80xi32, #tpu.memory_space<vmem>>)
      %dma_wait3A_552 = arith.constant 0 : i32
      %dma_wait3A_553 = tpu.memref_slice %arg3[%dma_wait3A_552] : memref<640000xi32, #tpu.memory_space<hbm>> -> memref<80xi32, #tpu.memory_space<hbm>>
      %dma_wait3A_554 = arith.constant 0 : i32
      %dma_wait3A_555 = tpu.memref_slice %arg3[%dma_wait3A_554] : memref<640000xi32, #tpu.memory_space<hbm>> -> memref<80xi32, #tpu.memory_space<hbm>>
      tpu.wait_dma2 semaphore(%arg28 : memref<!tpu.dma_semaphore, #tpu.memory_space<semaphore_mem>>) src(%dma_wait3A_555 : memref<80xi32, #tpu.memory_space<hbm>>) dst(%arg12 : memref<80xi32, #tpu.memory_space<vmem>>)
      %dma_start3A_556 = arith.constant 0 : i32
      %dma_start3A_557 = arith.constant 0 : i32
      %dma_start3A_558 = tpu.memref_slice %arg2[%dma_start3A_556, %dma_start3A_557] : memref<10000x128xf32, #tpu.memory_space<hbm>> -> memref<10000x128xf32, #tpu.memory_space<hbm>>
      tpu.enqueue_indirect_dma source(%dma_start3A_558 : memref<10000x128xf32, #tpu.memory_space<hbm>>) target(%arg18 : memref<80x128xf32, #tpu.memory_space<vmem>>) offsets(%arg6 : memref<80xi32, #tpu.memory_space<vmem>>) semaphore(%arg23 : memref<!tpu.dma_semaphore, #tpu.memory_space<semaphore_mem>>)
      %dma_wait3A_559 = arith.constant 0 : i32
      %dma_wait3A_560 = arith.constant 0 : i32
      %dma_wait3A_561 = tpu.memref_slice %arg2[%dma_wait3A_559, %dma_wait3A_560] : memref<10000x128xf32, #tpu.memory_space<hbm>> -> memref<80x128xf32, #tpu.memory_space<hbm>>
      %dma_wait3A_562 = arith.constant 0 : i32
      %dma_wait3A_563 = arith.constant 0 : i32
      %dma_wait3A_564 = tpu.memref_slice %arg2[%dma_wait3A_562, %dma_wait3A_563] : memref<10000x128xf32, #tpu.memory_space<hbm>> -> memref<80x128xf32, #tpu.memory_space<hbm>>
      tpu.wait_dma2 semaphore(%arg24 : memref<!tpu.dma_semaphore, #tpu.memory_space<semaphore_mem>>) src(%dma_wait3A_564 : memref<80x128xf32, #tpu.memory_space<hbm>>) dst(%arg18 : memref<80x128xf32, #tpu.memory_space<vmem>>)
      %dma_start3A_565 = arith.constant 0 : i32
      %dma_start3A_566 = arith.constant 0 : i32
      %dma_start3A_567 = tpu.memref_slice %arg5[%dma_start3A_565, %dma_start3A_566] : memref<10112x128xf32, #tpu.memory_space<vmem_shared>> -> memref<10112x128xf32, #tpu.memory_space<vmem_shared>>
      tpu.enqueue_indirect_dma source(%arg20 : memref<80x128xf32, #tpu.memory_space<vmem>>) target(%dma_start3A_567 : memref<10112x128xf32, #tpu.memory_space<vmem_shared>>) offsets(%arg17 : memref<80xi32, #tpu.memory_space<vmem>>) semaphore(%arg27 : memref<!tpu.dma_semaphore, #tpu.memory_space<semaphore_mem>>) {add = true}
      %mul3A_568 = arith.constant 6 : i32
      %mul3A_569 = arith.muli %add3A_523, %mul3A_568 : i32
      %add3A_570 = arith.constant 1 : i32
      %add3A_571 = arith.addi %mul3A_569, %add3A_570 : i32
      %dma_wait3A_572 = arith.constant 0 : i32
      %dma_wait3A_573 = arith.constant 0 : i32
      %dma_wait3A_574 = tpu.memref_slice %arg2[%dma_wait3A_572, %dma_wait3A_573] : memref<10000x128xf32, #tpu.memory_space<hbm>> -> memref<80x128xf32, #tpu.memory_space<hbm>>
      %dma_wait3A_575 = arith.constant 0 : i32
      %dma_wait3A_576 = arith.constant 0 : i32
      %dma_wait3A_577 = tpu.memref_slice %arg2[%dma_wait3A_575, %dma_wait3A_576] : memref<10000x128xf32, #tpu.memory_space<hbm>> -> memref<80x128xf32, #tpu.memory_space<hbm>>
      tpu.wait_dma2 semaphore(%arg26 : memref<!tpu.dma_semaphore, #tpu.memory_space<semaphore_mem>>) src(%dma_wait3A_577 : memref<80x128xf32, #tpu.memory_space<hbm>>) dst(%arg18 : memref<80x128xf32, #tpu.memory_space<vmem>>)
      %add3A_578 = arith.constant 1 : i32
      %add3A_579 = arith.addi %add3A_571, %add3A_578 : i32
      %min3A_580 = arith.constant 124 : i32
      %min3A_581 = arith.minsi %add3A_579, %min3A_580 : i32
      %mul3A_582 = arith.constant 80 : i32
      %mul3A_583 = arith.muli %min3A_581, %mul3A_582 : i32
      %add3A_584 = arith.addi %mul3A_271, %mul3A_583 : i32
      %multiple_of3A_585 = tpu.assume_multiple %add3A_584, 8 : i32
      %dma_start3A_586 = tpu.memref_slice %arg3[%multiple_of3A_585] : memref<640000xi32, #tpu.memory_space<hbm>> -> memref<80xi32, #tpu.memory_space<hbm>>
      %dma_start3A_587 = tpu.memref_slice %arg3[%multiple_of3A_585] : memref<640000xi32, #tpu.memory_space<hbm>> -> memref<80xi32, #tpu.memory_space<hbm>>
      tpu.enqueue_dma source(%dma_start3A_587 : memref<80xi32, #tpu.memory_space<hbm>>) target(%arg8 : memref<80xi32, #tpu.memory_space<vmem>>) target_semaphore(%arg28 : memref<!tpu.dma_semaphore, #tpu.memory_space<semaphore_mem>>)
      %add3A_588 = arith.constant 320000 : i32
      %add3A_589 = arith.addi %add3A_588, %multiple_of3A_585 : i32
      %dma_start3A_590 = tpu.memref_slice %arg3[%add3A_589] : memref<640000xi32, #tpu.memory_space<hbm>> -> memref<80xi32, #tpu.memory_space<hbm>>
      %dma_start3A_591 = tpu.memref_slice %arg3[%add3A_589] : memref<640000xi32, #tpu.memory_space<hbm>> -> memref<80xi32, #tpu.memory_space<hbm>>
      tpu.enqueue_dma source(%dma_start3A_591 : memref<80xi32, #tpu.memory_space<hbm>>) target(%arg14 : memref<80xi32, #tpu.memory_space<vmem>>) target_semaphore(%arg28 : memref<!tpu.dma_semaphore, #tpu.memory_space<semaphore_mem>>)
      %dma_wait3A_592 = arith.constant 0 : i32
      %dma_wait3A_593 = tpu.memref_slice %arg3[%dma_wait3A_592] : memref<640000xi32, #tpu.memory_space<hbm>> -> memref<80xi32, #tpu.memory_space<hbm>>
      %dma_wait3A_594 = arith.constant 0 : i32
      %dma_wait3A_595 = tpu.memref_slice %arg3[%dma_wait3A_594] : memref<640000xi32, #tpu.memory_space<hbm>> -> memref<80xi32, #tpu.memory_space<hbm>>
      tpu.wait_dma2 semaphore(%arg29 : memref<!tpu.dma_semaphore, #tpu.memory_space<semaphore_mem>>) src(%dma_wait3A_595 : memref<80xi32, #tpu.memory_space<hbm>>) dst(%arg12 : memref<80xi32, #tpu.memory_space<vmem>>)
      %dma_wait3A_596 = arith.constant 0 : i32
      %dma_wait3A_597 = tpu.memref_slice %arg3[%dma_wait3A_596] : memref<640000xi32, #tpu.memory_space<hbm>> -> memref<80xi32, #tpu.memory_space<hbm>>
      %dma_wait3A_598 = arith.constant 0 : i32
      %dma_wait3A_599 = tpu.memref_slice %arg3[%dma_wait3A_598] : memref<640000xi32, #tpu.memory_space<hbm>> -> memref<80xi32, #tpu.memory_space<hbm>>
      tpu.wait_dma2 semaphore(%arg29 : memref<!tpu.dma_semaphore, #tpu.memory_space<semaphore_mem>>) src(%dma_wait3A_599 : memref<80xi32, #tpu.memory_space<hbm>>) dst(%arg12 : memref<80xi32, #tpu.memory_space<vmem>>)
      %dma_start3A_600 = arith.constant 0 : i32
      %dma_start3A_601 = arith.constant 0 : i32
      %dma_start3A_602 = tpu.memref_slice %arg2[%dma_start3A_600, %dma_start3A_601] : memref<10000x128xf32, #tpu.memory_space<hbm>> -> memref<10000x128xf32, #tpu.memory_space<hbm>>
      tpu.enqueue_indirect_dma source(%dma_start3A_602 : memref<10000x128xf32, #tpu.memory_space<hbm>>) target(%arg19 : memref<80x128xf32, #tpu.memory_space<vmem>>) offsets(%arg7 : memref<80xi32, #tpu.memory_space<vmem>>) semaphore(%arg24 : memref<!tpu.dma_semaphore, #tpu.memory_space<semaphore_mem>>)
      %dma_wait3A_603 = arith.constant 0 : i32
      %dma_wait3A_604 = arith.constant 0 : i32
      %dma_wait3A_605 = tpu.memref_slice %arg2[%dma_wait3A_603, %dma_wait3A_604] : memref<10000x128xf32, #tpu.memory_space<hbm>> -> memref<80x128xf32, #tpu.memory_space<hbm>>
      %dma_wait3A_606 = arith.constant 0 : i32
      %dma_wait3A_607 = arith.constant 0 : i32
      %dma_wait3A_608 = tpu.memref_slice %arg2[%dma_wait3A_606, %dma_wait3A_607] : memref<10000x128xf32, #tpu.memory_space<hbm>> -> memref<80x128xf32, #tpu.memory_space<hbm>>
      tpu.wait_dma2 semaphore(%arg23 : memref<!tpu.dma_semaphore, #tpu.memory_space<semaphore_mem>>) src(%dma_wait3A_608 : memref<80x128xf32, #tpu.memory_space<hbm>>) dst(%arg18 : memref<80x128xf32, #tpu.memory_space<vmem>>)
      %dma_start3A_609 = arith.constant 0 : i32
      %dma_start3A_610 = arith.constant 0 : i32
      %dma_start3A_611 = tpu.memref_slice %arg5[%dma_start3A_609, %dma_start3A_610] : memref<10112x128xf32, #tpu.memory_space<vmem_shared>> -> memref<10112x128xf32, #tpu.memory_space<vmem_shared>>
      tpu.enqueue_indirect_dma source(%arg18 : memref<80x128xf32, #tpu.memory_space<vmem>>) target(%dma_start3A_611 : memref<10112x128xf32, #tpu.memory_space<vmem_shared>>) offsets(%arg12 : memref<80xi32, #tpu.memory_space<vmem>>) semaphore(%arg25 : memref<!tpu.dma_semaphore, #tpu.memory_space<semaphore_mem>>) {add = true}
      %mul3A_612 = arith.constant 6 : i32
      %mul3A_613 = arith.muli %add3A_523, %mul3A_612 : i32
      %add3A_614 = arith.constant 2 : i32
      %add3A_615 = arith.addi %mul3A_613, %add3A_614 : i32
      %dma_wait3A_616 = arith.constant 0 : i32
      %dma_wait3A_617 = arith.constant 0 : i32
      %dma_wait3A_618 = tpu.memref_slice %arg2[%dma_wait3A_616, %dma_wait3A_617] : memref<10000x128xf32, #tpu.memory_space<hbm>> -> memref<80x128xf32, #tpu.memory_space<hbm>>
      %dma_wait3A_619 = arith.constant 0 : i32
      %dma_wait3A_620 = arith.constant 0 : i32
      %dma_wait3A_621 = tpu.memref_slice %arg2[%dma_wait3A_619, %dma_wait3A_620] : memref<10000x128xf32, #tpu.memory_space<hbm>> -> memref<80x128xf32, #tpu.memory_space<hbm>>
      tpu.wait_dma2 semaphore(%arg27 : memref<!tpu.dma_semaphore, #tpu.memory_space<semaphore_mem>>) src(%dma_wait3A_621 : memref<80x128xf32, #tpu.memory_space<hbm>>) dst(%arg18 : memref<80x128xf32, #tpu.memory_space<vmem>>)
      %add3A_622 = arith.constant 1 : i32
      %add3A_623 = arith.addi %add3A_615, %add3A_622 : i32
      %min3A_624 = arith.constant 124 : i32
      %min3A_625 = arith.minsi %add3A_623, %min3A_624 : i32
      %mul3A_626 = arith.constant 80 : i32
      %mul3A_627 = arith.muli %min3A_625, %mul3A_626 : i32
      %add3A_628 = arith.addi %mul3A_271, %mul3A_627 : i32
      %multiple_of3A_629 = tpu.assume_multiple %add3A_628, 8 : i32
      %dma_start3A_630 = tpu.memref_slice %arg3[%multiple_of3A_629] : memref<640000xi32, #tpu.memory_space<hbm>> -> memref<80xi32, #tpu.memory_space<hbm>>
      %dma_start3A_631 = tpu.memref_slice %arg3[%multiple_of3A_629] : memref<640000xi32, #tpu.memory_space<hbm>> -> memref<80xi32, #tpu.memory_space<hbm>>
      tpu.enqueue_dma source(%dma_start3A_631 : memref<80xi32, #tpu.memory_space<hbm>>) target(%arg9 : memref<80xi32, #tpu.memory_space<vmem>>) target_semaphore(%arg29 : memref<!tpu.dma_semaphore, #tpu.memory_space<semaphore_mem>>)
      %add3A_632 = arith.constant 320000 : i32
      %add3A_633 = arith.addi %add3A_632, %multiple_of3A_629 : i32
      %dma_start3A_634 = tpu.memref_slice %arg3[%add3A_633] : memref<640000xi32, #tpu.memory_space<hbm>> -> memref<80xi32, #tpu.memory_space<hbm>>
      %dma_start3A_635 = tpu.memref_slice %arg3[%add3A_633] : memref<640000xi32, #tpu.memory_space<hbm>> -> memref<80xi32, #tpu.memory_space<hbm>>
      tpu.enqueue_dma source(%dma_start3A_635 : memref<80xi32, #tpu.memory_space<hbm>>) target(%arg15 : memref<80xi32, #tpu.memory_space<vmem>>) target_semaphore(%arg29 : memref<!tpu.dma_semaphore, #tpu.memory_space<semaphore_mem>>)
      %dma_wait3A_636 = arith.constant 0 : i32
      %dma_wait3A_637 = tpu.memref_slice %arg3[%dma_wait3A_636] : memref<640000xi32, #tpu.memory_space<hbm>> -> memref<80xi32, #tpu.memory_space<hbm>>
      %dma_wait3A_638 = arith.constant 0 : i32
      %dma_wait3A_639 = tpu.memref_slice %arg3[%dma_wait3A_638] : memref<640000xi32, #tpu.memory_space<hbm>> -> memref<80xi32, #tpu.memory_space<hbm>>
      tpu.wait_dma2 semaphore(%arg28 : memref<!tpu.dma_semaphore, #tpu.memory_space<semaphore_mem>>) src(%dma_wait3A_639 : memref<80xi32, #tpu.memory_space<hbm>>) dst(%arg12 : memref<80xi32, #tpu.memory_space<vmem>>)
      %dma_wait3A_640 = arith.constant 0 : i32
      %dma_wait3A_641 = tpu.memref_slice %arg3[%dma_wait3A_640] : memref<640000xi32, #tpu.memory_space<hbm>> -> memref<80xi32, #tpu.memory_space<hbm>>
      %dma_wait3A_642 = arith.constant 0 : i32
      %dma_wait3A_643 = tpu.memref_slice %arg3[%dma_wait3A_642] : memref<640000xi32, #tpu.memory_space<hbm>> -> memref<80xi32, #tpu.memory_space<hbm>>
      tpu.wait_dma2 semaphore(%arg28 : memref<!tpu.dma_semaphore, #tpu.memory_space<semaphore_mem>>) src(%dma_wait3A_643 : memref<80xi32, #tpu.memory_space<hbm>>) dst(%arg12 : memref<80xi32, #tpu.memory_space<vmem>>)
      %dma_start3A_644 = arith.constant 0 : i32
      %dma_start3A_645 = arith.constant 0 : i32
      %dma_start3A_646 = tpu.memref_slice %arg2[%dma_start3A_644, %dma_start3A_645] : memref<10000x128xf32, #tpu.memory_space<hbm>> -> memref<10000x128xf32, #tpu.memory_space<hbm>>
      tpu.enqueue_indirect_dma source(%dma_start3A_646 : memref<10000x128xf32, #tpu.memory_space<hbm>>) target(%arg20 : memref<80x128xf32, #tpu.memory_space<vmem>>) offsets(%arg8 : memref<80xi32, #tpu.memory_space<vmem>>) semaphore(%arg23 : memref<!tpu.dma_semaphore, #tpu.memory_space<semaphore_mem>>)
      %dma_wait3A_647 = arith.constant 0 : i32
      %dma_wait3A_648 = arith.constant 0 : i32
      %dma_wait3A_649 = tpu.memref_slice %arg2[%dma_wait3A_647, %dma_wait3A_648] : memref<10000x128xf32, #tpu.memory_space<hbm>> -> memref<80x128xf32, #tpu.memory_space<hbm>>
      %dma_wait3A_650 = arith.constant 0 : i32
      %dma_wait3A_651 = arith.constant 0 : i32
      %dma_wait3A_652 = tpu.memref_slice %arg2[%dma_wait3A_650, %dma_wait3A_651] : memref<10000x128xf32, #tpu.memory_space<hbm>> -> memref<80x128xf32, #tpu.memory_space<hbm>>
      tpu.wait_dma2 semaphore(%arg24 : memref<!tpu.dma_semaphore, #tpu.memory_space<semaphore_mem>>) src(%dma_wait3A_652 : memref<80x128xf32, #tpu.memory_space<hbm>>) dst(%arg18 : memref<80x128xf32, #tpu.memory_space<vmem>>)
      %dma_start3A_653 = arith.constant 0 : i32
      %dma_start3A_654 = arith.constant 0 : i32
      %dma_start3A_655 = tpu.memref_slice %arg5[%dma_start3A_653, %dma_start3A_654] : memref<10112x128xf32, #tpu.memory_space<vmem_shared>> -> memref<10112x128xf32, #tpu.memory_space<vmem_shared>>
      tpu.enqueue_indirect_dma source(%arg19 : memref<80x128xf32, #tpu.memory_space<vmem>>) target(%dma_start3A_655 : memref<10112x128xf32, #tpu.memory_space<vmem_shared>>) offsets(%arg13 : memref<80xi32, #tpu.memory_space<vmem>>) semaphore(%arg26 : memref<!tpu.dma_semaphore, #tpu.memory_space<semaphore_mem>>) {add = true}
      %mul3A_656 = arith.constant 6 : i32
      %mul3A_657 = arith.muli %add3A_523, %mul3A_656 : i32
      %add3A_658 = arith.constant 3 : i32
      %add3A_659 = arith.addi %mul3A_657, %add3A_658 : i32
      %dma_wait3A_660 = arith.constant 0 : i32
      %dma_wait3A_661 = arith.constant 0 : i32
      %dma_wait3A_662 = tpu.memref_slice %arg2[%dma_wait3A_660, %dma_wait3A_661] : memref<10000x128xf32, #tpu.memory_space<hbm>> -> memref<80x128xf32, #tpu.memory_space<hbm>>
      %dma_wait3A_663 = arith.constant 0 : i32
      %dma_wait3A_664 = arith.constant 0 : i32
      %dma_wait3A_665 = tpu.memref_slice %arg2[%dma_wait3A_663, %dma_wait3A_664] : memref<10000x128xf32, #tpu.memory_space<hbm>> -> memref<80x128xf32, #tpu.memory_space<hbm>>
      tpu.wait_dma2 semaphore(%arg25 : memref<!tpu.dma_semaphore, #tpu.memory_space<semaphore_mem>>) src(%dma_wait3A_665 : memref<80x128xf32, #tpu.memory_space<hbm>>) dst(%arg18 : memref<80x128xf32, #tpu.memory_space<vmem>>)
      %add3A_666 = arith.constant 1 : i32
      %add3A_667 = arith.addi %add3A_659, %add3A_666 : i32
      %min3A_668 = arith.constant 124 : i32
      %min3A_669 = arith.minsi %add3A_667, %min3A_668 : i32
      %mul3A_670 = arith.constant 80 : i32
      %mul3A_671 = arith.muli %min3A_669, %mul3A_670 : i32
      %add3A_672 = arith.addi %mul3A_271, %mul3A_671 : i32
      %multiple_of3A_673 = tpu.assume_multiple %add3A_672, 8 : i32
      %dma_start3A_674 = tpu.memref_slice %arg3[%multiple_of3A_673] : memref<640000xi32, #tpu.memory_space<hbm>> -> memref<80xi32, #tpu.memory_space<hbm>>
      %dma_start3A_675 = tpu.memref_slice %arg3[%multiple_of3A_673] : memref<640000xi32, #tpu.memory_space<hbm>> -> memref<80xi32, #tpu.memory_space<hbm>>
      tpu.enqueue_dma source(%dma_start3A_675 : memref<80xi32, #tpu.memory_space<hbm>>) target(%arg10 : memref<80xi32, #tpu.memory_space<vmem>>) target_semaphore(%arg28 : memref<!tpu.dma_semaphore, #tpu.memory_space<semaphore_mem>>)
      %add3A_676 = arith.constant 320000 : i32
      %add3A_677 = arith.addi %add3A_676, %multiple_of3A_673 : i32
      %dma_start3A_678 = tpu.memref_slice %arg3[%add3A_677] : memref<640000xi32, #tpu.memory_space<hbm>> -> memref<80xi32, #tpu.memory_space<hbm>>
      %dma_start3A_679 = tpu.memref_slice %arg3[%add3A_677] : memref<640000xi32, #tpu.memory_space<hbm>> -> memref<80xi32, #tpu.memory_space<hbm>>
      tpu.enqueue_dma source(%dma_start3A_679 : memref<80xi32, #tpu.memory_space<hbm>>) target(%arg16 : memref<80xi32, #tpu.memory_space<vmem>>) target_semaphore(%arg28 : memref<!tpu.dma_semaphore, #tpu.memory_space<semaphore_mem>>)
      %dma_wait3A_680 = arith.constant 0 : i32
      %dma_wait3A_681 = tpu.memref_slice %arg3[%dma_wait3A_680] : memref<640000xi32, #tpu.memory_space<hbm>> -> memref<80xi32, #tpu.memory_space<hbm>>
      %dma_wait3A_682 = arith.constant 0 : i32
      %dma_wait3A_683 = tpu.memref_slice %arg3[%dma_wait3A_682] : memref<640000xi32, #tpu.memory_space<hbm>> -> memref<80xi32, #tpu.memory_space<hbm>>
      tpu.wait_dma2 semaphore(%arg29 : memref<!tpu.dma_semaphore, #tpu.memory_space<semaphore_mem>>) src(%dma_wait3A_683 : memref<80xi32, #tpu.memory_space<hbm>>) dst(%arg12 : memref<80xi32, #tpu.memory_space<vmem>>)
      %dma_wait3A_684 = arith.constant 0 : i32
      %dma_wait3A_685 = tpu.memref_slice %arg3[%dma_wait3A_684] : memref<640000xi32, #tpu.memory_space<hbm>> -> memref<80xi32, #tpu.memory_space<hbm>>
      %dma_wait3A_686 = arith.constant 0 : i32
      %dma_wait3A_687 = tpu.memref_slice %arg3[%dma_wait3A_686] : memref<640000xi32, #tpu.memory_space<hbm>> -> memref<80xi32, #tpu.memory_space<hbm>>
      tpu.wait_dma2 semaphore(%arg29 : memref<!tpu.dma_semaphore, #tpu.memory_space<semaphore_mem>>) src(%dma_wait3A_687 : memref<80xi32, #tpu.memory_space<hbm>>) dst(%arg12 : memref<80xi32, #tpu.memory_space<vmem>>)
      %dma_start3A_688 = arith.constant 0 : i32
      %dma_start3A_689 = arith.constant 0 : i32
      %dma_start3A_690 = tpu.memref_slice %arg2[%dma_start3A_688, %dma_start3A_689] : memref<10000x128xf32, #tpu.memory_space<hbm>> -> memref<10000x128xf32, #tpu.memory_space<hbm>>
      tpu.enqueue_indirect_dma source(%dma_start3A_690 : memref<10000x128xf32, #tpu.memory_space<hbm>>) target(%arg18 : memref<80x128xf32, #tpu.memory_space<vmem>>) offsets(%arg9 : memref<80xi32, #tpu.memory_space<vmem>>) semaphore(%arg24 : memref<!tpu.dma_semaphore, #tpu.memory_space<semaphore_mem>>)
      %dma_wait3A_691 = arith.constant 0 : i32
      %dma_wait3A_692 = arith.constant 0 : i32
      %dma_wait3A_693 = tpu.memref_slice %arg2[%dma_wait3A_691, %dma_wait3A_692] : memref<10000x128xf32, #tpu.memory_space<hbm>> -> memref<80x128xf32, #tpu.memory_space<hbm>>
      %dma_wait3A_694 = arith.constant 0 : i32
      %dma_wait3A_695 = arith.constant 0 : i32
      %dma_wait3A_696 = tpu.memref_slice %arg2[%dma_wait3A_694, %dma_wait3A_695] : memref<10000x128xf32, #tpu.memory_space<hbm>> -> memref<80x128xf32, #tpu.memory_space<hbm>>
      tpu.wait_dma2 semaphore(%arg23 : memref<!tpu.dma_semaphore, #tpu.memory_space<semaphore_mem>>) src(%dma_wait3A_696 : memref<80x128xf32, #tpu.memory_space<hbm>>) dst(%arg18 : memref<80x128xf32, #tpu.memory_space<vmem>>)
      %dma_start3A_697 = arith.constant 0 : i32
      %dma_start3A_698 = arith.constant 0 : i32
      %dma_start3A_699 = tpu.memref_slice %arg5[%dma_start3A_697, %dma_start3A_698] : memref<10112x128xf32, #tpu.memory_space<vmem_shared>> -> memref<10112x128xf32, #tpu.memory_space<vmem_shared>>
      tpu.enqueue_indirect_dma source(%arg20 : memref<80x128xf32, #tpu.memory_space<vmem>>) target(%dma_start3A_699 : memref<10112x128xf32, #tpu.memory_space<vmem_shared>>) offsets(%arg14 : memref<80xi32, #tpu.memory_space<vmem>>) semaphore(%arg27 : memref<!tpu.dma_semaphore, #tpu.memory_space<semaphore_mem>>) {add = true}
      %mul3A_700 = arith.constant 6 : i32
      %mul3A_701 = arith.muli %add3A_523, %mul3A_700 : i32
      %add3A_702 = arith.constant 4 : i32
      %add3A_703 = arith.addi %mul3A_701, %add3A_702 : i32
      %dma_wait3A_704 = arith.constant 0 : i32
      %dma_wait3A_705 = arith.constant 0 : i32
      %dma_wait3A_706 = tpu.memref_slice %arg2[%dma_wait3A_704, %dma_wait3A_705] : memref<10000x128xf32, #tpu.memory_space<hbm>> -> memref<80x128xf32, #tpu.memory_space<hbm>>
      %dma_wait3A_707 = arith.constant 0 : i32
      %dma_wait3A_708 = arith.constant 0 : i32
      %dma_wait3A_709 = tpu.memref_slice %arg2[%dma_wait3A_707, %dma_wait3A_708] : memref<10000x128xf32, #tpu.memory_space<hbm>> -> memref<80x128xf32, #tpu.memory_space<hbm>>
      tpu.wait_dma2 semaphore(%arg26 : memref<!tpu.dma_semaphore, #tpu.memory_space<semaphore_mem>>) src(%dma_wait3A_709 : memref<80x128xf32, #tpu.memory_space<hbm>>) dst(%arg18 : memref<80x128xf32, #tpu.memory_space<vmem>>)
      %add3A_710 = arith.constant 1 : i32
      %add3A_711 = arith.addi %add3A_703, %add3A_710 : i32
      %min3A_712 = arith.constant 124 : i32
      %min3A_713 = arith.minsi %add3A_711, %min3A_712 : i32
      %mul3A_714 = arith.constant 80 : i32
      %mul3A_715 = arith.muli %min3A_713, %mul3A_714 : i32
      %add3A_716 = arith.addi %mul3A_271, %mul3A_715 : i32
      %multiple_of3A_717 = tpu.assume_multiple %add3A_716, 8 : i32
      %dma_start3A_718 = tpu.memref_slice %arg3[%multiple_of3A_717] : memref<640000xi32, #tpu.memory_space<hbm>> -> memref<80xi32, #tpu.memory_space<hbm>>
      %dma_start3A_719 = tpu.memref_slice %arg3[%multiple_of3A_717] : memref<640000xi32, #tpu.memory_space<hbm>> -> memref<80xi32, #tpu.memory_space<hbm>>
      tpu.enqueue_dma source(%dma_start3A_719 : memref<80xi32, #tpu.memory_space<hbm>>) target(%arg11 : memref<80xi32, #tpu.memory_space<vmem>>) target_semaphore(%arg29 : memref<!tpu.dma_semaphore, #tpu.memory_space<semaphore_mem>>)
      %add3A_720 = arith.constant 320000 : i32
      %add3A_721 = arith.addi %add3A_720, %multiple_of3A_717 : i32
      %dma_start3A_722 = tpu.memref_slice %arg3[%add3A_721] : memref<640000xi32, #tpu.memory_space<hbm>> -> memref<80xi32, #tpu.memory_space<hbm>>
      %dma_start3A_723 = tpu.memref_slice %arg3[%add3A_721] : memref<640000xi32, #tpu.memory_space<hbm>> -> memref<80xi32, #tpu.memory_space<hbm>>
      tpu.enqueue_dma source(%dma_start3A_723 : memref<80xi32, #tpu.memory_space<hbm>>) target(%arg17 : memref<80xi32, #tpu.memory_space<vmem>>) target_semaphore(%arg29 : memref<!tpu.dma_semaphore, #tpu.memory_space<semaphore_mem>>)
      %dma_wait3A_724 = arith.constant 0 : i32
      %dma_wait3A_725 = tpu.memref_slice %arg3[%dma_wait3A_724] : memref<640000xi32, #tpu.memory_space<hbm>> -> memref<80xi32, #tpu.memory_space<hbm>>
      %dma_wait3A_726 = arith.constant 0 : i32
      %dma_wait3A_727 = tpu.memref_slice %arg3[%dma_wait3A_726] : memref<640000xi32, #tpu.memory_space<hbm>> -> memref<80xi32, #tpu.memory_space<hbm>>
      tpu.wait_dma2 semaphore(%arg28 : memref<!tpu.dma_semaphore, #tpu.memory_space<semaphore_mem>>) src(%dma_wait3A_727 : memref<80xi32, #tpu.memory_space<hbm>>) dst(%arg12 : memref<80xi32, #tpu.memory_space<vmem>>)
      %dma_wait3A_728 = arith.constant 0 : i32
      %dma_wait3A_729 = tpu.memref_slice %arg3[%dma_wait3A_728] : memref<640000xi32, #tpu.memory_space<hbm>> -> memref<80xi32, #tpu.memory_space<hbm>>
      %dma_wait3A_730 = arith.constant 0 : i32
      %dma_wait3A_731 = tpu.memref_slice %arg3[%dma_wait3A_730] : memref<640000xi32, #tpu.memory_space<hbm>> -> memref<80xi32, #tpu.memory_space<hbm>>
      tpu.wait_dma2 semaphore(%arg28 : memref<!tpu.dma_semaphore, #tpu.memory_space<semaphore_mem>>) src(%dma_wait3A_731 : memref<80xi32, #tpu.memory_space<hbm>>) dst(%arg12 : memref<80xi32, #tpu.memory_space<vmem>>)
      %dma_start3A_732 = arith.constant 0 : i32
      %dma_start3A_733 = arith.constant 0 : i32
      %dma_start3A_734 = tpu.memref_slice %arg2[%dma_start3A_732, %dma_start3A_733] : memref<10000x128xf32, #tpu.memory_space<hbm>> -> memref<10000x128xf32, #tpu.memory_space<hbm>>
      tpu.enqueue_indirect_dma source(%dma_start3A_734 : memref<10000x128xf32, #tpu.memory_space<hbm>>) target(%arg19 : memref<80x128xf32, #tpu.memory_space<vmem>>) offsets(%arg10 : memref<80xi32, #tpu.memory_space<vmem>>) semaphore(%arg23 : memref<!tpu.dma_semaphore, #tpu.memory_space<semaphore_mem>>)
      %dma_wait3A_735 = arith.constant 0 : i32
      %dma_wait3A_736 = arith.constant 0 : i32
      %dma_wait3A_737 = tpu.memref_slice %arg2[%dma_wait3A_735, %dma_wait3A_736] : memref<10000x128xf32, #tpu.memory_space<hbm>> -> memref<80x128xf32, #tpu.memory_space<hbm>>
      %dma_wait3A_738 = arith.constant 0 : i32
      %dma_wait3A_739 = arith.constant 0 : i32
      %dma_wait3A_740 = tpu.memref_slice %arg2[%dma_wait3A_738, %dma_wait3A_739] : memref<10000x128xf32, #tpu.memory_space<hbm>> -> memref<80x128xf32, #tpu.memory_space<hbm>>
      tpu.wait_dma2 semaphore(%arg24 : memref<!tpu.dma_semaphore, #tpu.memory_space<semaphore_mem>>) src(%dma_wait3A_740 : memref<80x128xf32, #tpu.memory_space<hbm>>) dst(%arg18 : memref<80x128xf32, #tpu.memory_space<vmem>>)
      %dma_start3A_741 = arith.constant 0 : i32
      %dma_start3A_742 = arith.constant 0 : i32
      %dma_start3A_743 = tpu.memref_slice %arg5[%dma_start3A_741, %dma_start3A_742] : memref<10112x128xf32, #tpu.memory_space<vmem_shared>> -> memref<10112x128xf32, #tpu.memory_space<vmem_shared>>
      tpu.enqueue_indirect_dma source(%arg18 : memref<80x128xf32, #tpu.memory_space<vmem>>) target(%dma_start3A_743 : memref<10112x128xf32, #tpu.memory_space<vmem_shared>>) offsets(%arg15 : memref<80xi32, #tpu.memory_space<vmem>>) semaphore(%arg25 : memref<!tpu.dma_semaphore, #tpu.memory_space<semaphore_mem>>) {add = true}
      %mul3A_744 = arith.constant 6 : i32
      %mul3A_745 = arith.muli %add3A_523, %mul3A_744 : i32
      %add3A_746 = arith.constant 5 : i32
      %add3A_747 = arith.addi %mul3A_745, %add3A_746 : i32
      %dma_wait3A_748 = arith.constant 0 : i32
      %dma_wait3A_749 = arith.constant 0 : i32
      %dma_wait3A_750 = tpu.memref_slice %arg2[%dma_wait3A_748, %dma_wait3A_749] : memref<10000x128xf32, #tpu.memory_space<hbm>> -> memref<80x128xf32, #tpu.memory_space<hbm>>
      %dma_wait3A_751 = arith.constant 0 : i32
      %dma_wait3A_752 = arith.constant 0 : i32
      %dma_wait3A_753 = tpu.memref_slice %arg2[%dma_wait3A_751, %dma_wait3A_752] : memref<10000x128xf32, #tpu.memory_space<hbm>> -> memref<80x128xf32, #tpu.memory_space<hbm>>
      tpu.wait_dma2 semaphore(%arg27 : memref<!tpu.dma_semaphore, #tpu.memory_space<semaphore_mem>>) src(%dma_wait3A_753 : memref<80x128xf32, #tpu.memory_space<hbm>>) dst(%arg18 : memref<80x128xf32, #tpu.memory_space<vmem>>)
      %add3A_754 = arith.constant 1 : i32
      %add3A_755 = arith.addi %add3A_747, %add3A_754 : i32
      %min3A_756 = arith.constant 124 : i32
      %min3A_757 = arith.minsi %add3A_755, %min3A_756 : i32
      %mul3A_758 = arith.constant 80 : i32
      %mul3A_759 = arith.muli %min3A_757, %mul3A_758 : i32
      %add3A_760 = arith.addi %mul3A_271, %mul3A_759 : i32
      %multiple_of3A_761 = tpu.assume_multiple %add3A_760, 8 : i32
      %dma_start3A_762 = tpu.memref_slice %arg3[%multiple_of3A_761] : memref<640000xi32, #tpu.memory_space<hbm>> -> memref<80xi32, #tpu.memory_space<hbm>>
      %dma_start3A_763 = tpu.memref_slice %arg3[%multiple_of3A_761] : memref<640000xi32, #tpu.memory_space<hbm>> -> memref<80xi32, #tpu.memory_space<hbm>>
      tpu.enqueue_dma source(%dma_start3A_763 : memref<80xi32, #tpu.memory_space<hbm>>) target(%arg6 : memref<80xi32, #tpu.memory_space<vmem>>) target_semaphore(%arg28 : memref<!tpu.dma_semaphore, #tpu.memory_space<semaphore_mem>>)
      %add3A_764 = arith.constant 320000 : i32
      %add3A_765 = arith.addi %add3A_764, %multiple_of3A_761 : i32
      %dma_start3A_766 = tpu.memref_slice %arg3[%add3A_765] : memref<640000xi32, #tpu.memory_space<hbm>> -> memref<80xi32, #tpu.memory_space<hbm>>
      %dma_start3A_767 = tpu.memref_slice %arg3[%add3A_765] : memref<640000xi32, #tpu.memory_space<hbm>> -> memref<80xi32, #tpu.memory_space<hbm>>
      tpu.enqueue_dma source(%dma_start3A_767 : memref<80xi32, #tpu.memory_space<hbm>>) target(%arg12 : memref<80xi32, #tpu.memory_space<vmem>>) target_semaphore(%arg28 : memref<!tpu.dma_semaphore, #tpu.memory_space<semaphore_mem>>)
      %dma_wait3A_768 = arith.constant 0 : i32
      %dma_wait3A_769 = tpu.memref_slice %arg3[%dma_wait3A_768] : memref<640000xi32, #tpu.memory_space<hbm>> -> memref<80xi32, #tpu.memory_space<hbm>>
      %dma_wait3A_770 = arith.constant 0 : i32
      %dma_wait3A_771 = tpu.memref_slice %arg3[%dma_wait3A_770] : memref<640000xi32, #tpu.memory_space<hbm>> -> memref<80xi32, #tpu.memory_space<hbm>>
      tpu.wait_dma2 semaphore(%arg29 : memref<!tpu.dma_semaphore, #tpu.memory_space<semaphore_mem>>) src(%dma_wait3A_771 : memref<80xi32, #tpu.memory_space<hbm>>) dst(%arg12 : memref<80xi32, #tpu.memory_space<vmem>>)
      %dma_wait3A_772 = arith.constant 0 : i32
      %dma_wait3A_773 = tpu.memref_slice %arg3[%dma_wait3A_772] : memref<640000xi32, #tpu.memory_space<hbm>> -> memref<80xi32, #tpu.memory_space<hbm>>
      %dma_wait3A_774 = arith.constant 0 : i32
      %dma_wait3A_775 = tpu.memref_slice %arg3[%dma_wait3A_774] : memref<640000xi32, #tpu.memory_space<hbm>> -> memref<80xi32, #tpu.memory_space<hbm>>
      tpu.wait_dma2 semaphore(%arg29 : memref<!tpu.dma_semaphore, #tpu.memory_space<semaphore_mem>>) src(%dma_wait3A_775 : memref<80xi32, #tpu.memory_space<hbm>>) dst(%arg12 : memref<80xi32, #tpu.memory_space<vmem>>)
      %dma_start3A_776 = arith.constant 0 : i32
      %dma_start3A_777 = arith.constant 0 : i32
      %dma_start3A_778 = tpu.memref_slice %arg2[%dma_start3A_776, %dma_start3A_777] : memref<10000x128xf32, #tpu.memory_space<hbm>> -> memref<10000x128xf32, #tpu.memory_space<hbm>>
      tpu.enqueue_indirect_dma source(%dma_start3A_778 : memref<10000x128xf32, #tpu.memory_space<hbm>>) target(%arg20 : memref<80x128xf32, #tpu.memory_space<vmem>>) offsets(%arg11 : memref<80xi32, #tpu.memory_space<vmem>>) semaphore(%arg24 : memref<!tpu.dma_semaphore, #tpu.memory_space<semaphore_mem>>)
      %dma_wait3A_779 = arith.constant 0 : i32
      %dma_wait3A_780 = arith.constant 0 : i32
      %dma_wait3A_781 = tpu.memref_slice %arg2[%dma_wait3A_779, %dma_wait3A_780] : memref<10000x128xf32, #tpu.memory_space<hbm>> -> memref<80x128xf32, #tpu.memory_space<hbm>>
      %dma_wait3A_782 = arith.constant 0 : i32
      %dma_wait3A_783 = arith.constant 0 : i32
      %dma_wait3A_784 = tpu.memref_slice %arg2[%dma_wait3A_782, %dma_wait3A_783] : memref<10000x128xf32, #tpu.memory_space<hbm>> -> memref<80x128xf32, #tpu.memory_space<hbm>>
      tpu.wait_dma2 semaphore(%arg23 : memref<!tpu.dma_semaphore, #tpu.memory_space<semaphore_mem>>) src(%dma_wait3A_784 : memref<80x128xf32, #tpu.memory_space<hbm>>) dst(%arg18 : memref<80x128xf32, #tpu.memory_space<vmem>>)
      %dma_start3A_785 = arith.constant 0 : i32
      %dma_start3A_786 = arith.constant 0 : i32
      %dma_start3A_787 = tpu.memref_slice %arg5[%dma_start3A_785, %dma_start3A_786] : memref<10112x128xf32, #tpu.memory_space<vmem_shared>> -> memref<10112x128xf32, #tpu.memory_space<vmem_shared>>
      tpu.enqueue_indirect_dma source(%arg19 : memref<80x128xf32, #tpu.memory_space<vmem>>) target(%dma_start3A_787 : memref<10112x128xf32, #tpu.memory_space<vmem_shared>>) offsets(%arg16 : memref<80xi32, #tpu.memory_space<vmem>>) semaphore(%arg26 : memref<!tpu.dma_semaphore, #tpu.memory_space<semaphore_mem>>) {add = true}
    }
    %scan3A_282 = arith.constant 20 : i32
    %dma_wait3A_283 = arith.constant 0 : i32
    %dma_wait3A_284 = arith.constant 0 : i32
    %dma_wait3A_285 = tpu.memref_slice %arg2[%dma_wait3A_283, %dma_wait3A_284] : memref<10000x128xf32, #tpu.memory_space<hbm>> -> memref<80x128xf32, #tpu.memory_space<hbm>>
    %dma_wait3A_286 = arith.constant 0 : i32
    %dma_wait3A_287 = arith.constant 0 : i32
    %dma_wait3A_288 = tpu.memref_slice %arg2[%dma_wait3A_286, %dma_wait3A_287] : memref<10000x128xf32, #tpu.memory_space<hbm>> -> memref<80x128xf32, #tpu.memory_space<hbm>>
    tpu.wait_dma2 semaphore(%arg25 : memref<!tpu.dma_semaphore, #tpu.memory_space<semaphore_mem>>) src(%dma_wait3A_288 : memref<80x128xf32, #tpu.memory_space<hbm>>) dst(%arg18 : memref<80x128xf32, #tpu.memory_space<vmem>>)
    %min3A = arith.constant 121 : i32
    %min3A_289 = arith.constant 124 : i32
    %min3A_290 = arith.minsi %min3A, %min3A_289 : i32
    %mul3A_291 = arith.constant 80 : i32
    %mul3A_292 = arith.muli %min3A_290, %mul3A_291 : i32
    %add3A_293 = arith.addi %mul3A_271, %mul3A_292 : i32
    %multiple_of3A_294 = tpu.assume_multiple %add3A_293, 8 : i32
    %dma_start3A_295 = tpu.memref_slice %arg3[%multiple_of3A_294] : memref<640000xi32, #tpu.memory_space<hbm>> -> memref<80xi32, #tpu.memory_space<hbm>>
    %dma_start3A_296 = tpu.memref_slice %arg3[%multiple_of3A_294] : memref<640000xi32, #tpu.memory_space<hbm>> -> memref<80xi32, #tpu.memory_space<hbm>>
    tpu.enqueue_dma source(%dma_start3A_296 : memref<80xi32, #tpu.memory_space<hbm>>) target(%arg7 : memref<80xi32, #tpu.memory_space<vmem>>) target_semaphore(%arg29 : memref<!tpu.dma_semaphore, #tpu.memory_space<semaphore_mem>>)
    %add3A_297 = arith.constant 320000 : i32
    %add3A_298 = arith.addi %add3A_297, %multiple_of3A_294 : i32
    %dma_start3A_299 = tpu.memref_slice %arg3[%add3A_298] : memref<640000xi32, #tpu.memory_space<hbm>> -> memref<80xi32, #tpu.memory_space<hbm>>
    %dma_start3A_300 = tpu.memref_slice %arg3[%add3A_298] : memref<640000xi32, #tpu.memory_space<hbm>> -> memref<80xi32, #tpu.memory_space<hbm>>
    tpu.enqueue_dma source(%dma_start3A_300 : memref<80xi32, #tpu.memory_space<hbm>>) target(%arg13 : memref<80xi32, #tpu.memory_space<vmem>>) target_semaphore(%arg29 : memref<!tpu.dma_semaphore, #tpu.memory_space<semaphore_mem>>)
    %dma_wait3A_301 = arith.constant 0 : i32
    %dma_wait3A_302 = tpu.memref_slice %arg3[%dma_wait3A_301] : memref<640000xi32, #tpu.memory_space<hbm>> -> memref<80xi32, #tpu.memory_space<hbm>>
    %dma_wait3A_303 = arith.constant 0 : i32
    %dma_wait3A_304 = tpu.memref_slice %arg3[%dma_wait3A_303] : memref<640000xi32, #tpu.memory_space<hbm>> -> memref<80xi32, #tpu.memory_space<hbm>>
    tpu.wait_dma2 semaphore(%arg28 : memref<!tpu.dma_semaphore, #tpu.memory_space<semaphore_mem>>) src(%dma_wait3A_304 : memref<80xi32, #tpu.memory_space<hbm>>) dst(%arg12 : memref<80xi32, #tpu.memory_space<vmem>>)
    %dma_wait3A_305 = arith.constant 0 : i32
    %dma_wait3A_306 = tpu.memref_slice %arg3[%dma_wait3A_305] : memref<640000xi32, #tpu.memory_space<hbm>> -> memref<80xi32, #tpu.memory_space<hbm>>
    %dma_wait3A_307 = arith.constant 0 : i32
    %dma_wait3A_308 = tpu.memref_slice %arg3[%dma_wait3A_307] : memref<640000xi32, #tpu.memory_space<hbm>> -> memref<80xi32, #tpu.memory_space<hbm>>
    tpu.wait_dma2 semaphore(%arg28 : memref<!tpu.dma_semaphore, #tpu.memory_space<semaphore_mem>>) src(%dma_wait3A_308 : memref<80xi32, #tpu.memory_space<hbm>>) dst(%arg12 : memref<80xi32, #tpu.memory_space<vmem>>)
    %dma_start3A_309 = arith.constant 0 : i32
    %dma_start3A_310 = arith.constant 0 : i32
    %dma_start3A_311 = tpu.memref_slice %arg2[%dma_start3A_309, %dma_start3A_310] : memref<10000x128xf32, #tpu.memory_space<hbm>> -> memref<10000x128xf32, #tpu.memory_space<hbm>>
    tpu.enqueue_indirect_dma source(%dma_start3A_311 : memref<10000x128xf32, #tpu.memory_space<hbm>>) target(%arg18 : memref<80x128xf32, #tpu.memory_space<vmem>>) offsets(%arg6 : memref<80xi32, #tpu.memory_space<vmem>>) semaphore(%arg23 : memref<!tpu.dma_semaphore, #tpu.memory_space<semaphore_mem>>)
    %dma_wait3A_312 = arith.constant 0 : i32
    %dma_wait3A_313 = arith.constant 0 : i32
    %dma_wait3A_314 = tpu.memref_slice %arg2[%dma_wait3A_312, %dma_wait3A_313] : memref<10000x128xf32, #tpu.memory_space<hbm>> -> memref<80x128xf32, #tpu.memory_space<hbm>>
    %dma_wait3A_315 = arith.constant 0 : i32
    %dma_wait3A_316 = arith.constant 0 : i32
    %dma_wait3A_317 = tpu.memref_slice %arg2[%dma_wait3A_315, %dma_wait3A_316] : memref<10000x128xf32, #tpu.memory_space<hbm>> -> memref<80x128xf32, #tpu.memory_space<hbm>>
    tpu.wait_dma2 semaphore(%arg24 : memref<!tpu.dma_semaphore, #tpu.memory_space<semaphore_mem>>) src(%dma_wait3A_317 : memref<80x128xf32, #tpu.memory_space<hbm>>) dst(%arg18 : memref<80x128xf32, #tpu.memory_space<vmem>>)
    %dma_start3A_318 = arith.constant 0 : i32
    %dma_start3A_319 = arith.constant 0 : i32
    %dma_start3A_320 = tpu.memref_slice %arg5[%dma_start3A_318, %dma_start3A_319] : memref<10112x128xf32, #tpu.memory_space<vmem_shared>> -> memref<10112x128xf32, #tpu.memory_space<vmem_shared>>
    tpu.enqueue_indirect_dma source(%arg20 : memref<80x128xf32, #tpu.memory_space<vmem>>) target(%dma_start3A_320 : memref<10112x128xf32, #tpu.memory_space<vmem_shared>>) offsets(%arg17 : memref<80xi32, #tpu.memory_space<vmem>>) semaphore(%arg27 : memref<!tpu.dma_semaphore, #tpu.memory_space<semaphore_mem>>) {add = true}
    %dma_wait3A_321 = arith.constant 0 : i32
    %dma_wait3A_322 = arith.constant 0 : i32
    %dma_wait3A_323 = tpu.memref_slice %arg2[%dma_wait3A_321, %dma_wait3A_322] : memref<10000x128xf32, #tpu.memory_space<hbm>> -> memref<80x128xf32, #tpu.memory_space<hbm>>
    %dma_wait3A_324 = arith.constant 0 : i32
    %dma_wait3A_325 = arith.constant 0 : i32
    %dma_wait3A_326 = tpu.memref_slice %arg2[%dma_wait3A_324, %dma_wait3A_325] : memref<10000x128xf32, #tpu.memory_space<hbm>> -> memref<80x128xf32, #tpu.memory_space<hbm>>
    tpu.wait_dma2 semaphore(%arg26 : memref<!tpu.dma_semaphore, #tpu.memory_space<semaphore_mem>>) src(%dma_wait3A_326 : memref<80x128xf32, #tpu.memory_space<hbm>>) dst(%arg18 : memref<80x128xf32, #tpu.memory_space<vmem>>)
    %min3A_327 = arith.constant 122 : i32
    %min3A_328 = arith.constant 124 : i32
    %min3A_329 = arith.minsi %min3A_327, %min3A_328 : i32
    %mul3A_330 = arith.constant 80 : i32
    %mul3A_331 = arith.muli %min3A_329, %mul3A_330 : i32
    %add3A_332 = arith.addi %mul3A_271, %mul3A_331 : i32
    %multiple_of3A_333 = tpu.assume_multiple %add3A_332, 8 : i32
    %dma_start3A_334 = tpu.memref_slice %arg3[%multiple_of3A_333] : memref<640000xi32, #tpu.memory_space<hbm>> -> memref<80xi32, #tpu.memory_space<hbm>>
    %dma_start3A_335 = tpu.memref_slice %arg3[%multiple_of3A_333] : memref<640000xi32, #tpu.memory_space<hbm>> -> memref<80xi32, #tpu.memory_space<hbm>>
    tpu.enqueue_dma source(%dma_start3A_335 : memref<80xi32, #tpu.memory_space<hbm>>) target(%arg8 : memref<80xi32, #tpu.memory_space<vmem>>) target_semaphore(%arg28 : memref<!tpu.dma_semaphore, #tpu.memory_space<semaphore_mem>>)
    %add3A_336 = arith.constant 320000 : i32
    %add3A_337 = arith.addi %add3A_336, %multiple_of3A_333 : i32
    %dma_start3A_338 = tpu.memref_slice %arg3[%add3A_337] : memref<640000xi32, #tpu.memory_space<hbm>> -> memref<80xi32, #tpu.memory_space<hbm>>
    %dma_start3A_339 = tpu.memref_slice %arg3[%add3A_337] : memref<640000xi32, #tpu.memory_space<hbm>> -> memref<80xi32, #tpu.memory_space<hbm>>
    tpu.enqueue_dma source(%dma_start3A_339 : memref<80xi32, #tpu.memory_space<hbm>>) target(%arg14 : memref<80xi32, #tpu.memory_space<vmem>>) target_semaphore(%arg28 : memref<!tpu.dma_semaphore, #tpu.memory_space<semaphore_mem>>)
    %dma_wait3A_340 = arith.constant 0 : i32
    %dma_wait3A_341 = tpu.memref_slice %arg3[%dma_wait3A_340] : memref<640000xi32, #tpu.memory_space<hbm>> -> memref<80xi32, #tpu.memory_space<hbm>>
    %dma_wait3A_342 = arith.constant 0 : i32
    %dma_wait3A_343 = tpu.memref_slice %arg3[%dma_wait3A_342] : memref<640000xi32, #tpu.memory_space<hbm>> -> memref<80xi32, #tpu.memory_space<hbm>>
    tpu.wait_dma2 semaphore(%arg29 : memref<!tpu.dma_semaphore, #tpu.memory_space<semaphore_mem>>) src(%dma_wait3A_343 : memref<80xi32, #tpu.memory_space<hbm>>) dst(%arg12 : memref<80xi32, #tpu.memory_space<vmem>>)
    %dma_wait3A_344 = arith.constant 0 : i32
    %dma_wait3A_345 = tpu.memref_slice %arg3[%dma_wait3A_344] : memref<640000xi32, #tpu.memory_space<hbm>> -> memref<80xi32, #tpu.memory_space<hbm>>
    %dma_wait3A_346 = arith.constant 0 : i32
    %dma_wait3A_347 = tpu.memref_slice %arg3[%dma_wait3A_346] : memref<640000xi32, #tpu.memory_space<hbm>> -> memref<80xi32, #tpu.memory_space<hbm>>
    tpu.wait_dma2 semaphore(%arg29 : memref<!tpu.dma_semaphore, #tpu.memory_space<semaphore_mem>>) src(%dma_wait3A_347 : memref<80xi32, #tpu.memory_space<hbm>>) dst(%arg12 : memref<80xi32, #tpu.memory_space<vmem>>)
    %dma_start3A_348 = arith.constant 0 : i32
    %dma_start3A_349 = arith.constant 0 : i32
    %dma_start3A_350 = tpu.memref_slice %arg2[%dma_start3A_348, %dma_start3A_349] : memref<10000x128xf32, #tpu.memory_space<hbm>> -> memref<10000x128xf32, #tpu.memory_space<hbm>>
    tpu.enqueue_indirect_dma source(%dma_start3A_350 : memref<10000x128xf32, #tpu.memory_space<hbm>>) target(%arg19 : memref<80x128xf32, #tpu.memory_space<vmem>>) offsets(%arg7 : memref<80xi32, #tpu.memory_space<vmem>>) semaphore(%arg24 : memref<!tpu.dma_semaphore, #tpu.memory_space<semaphore_mem>>)
    %dma_wait3A_351 = arith.constant 0 : i32
    %dma_wait3A_352 = arith.constant 0 : i32
    %dma_wait3A_353 = tpu.memref_slice %arg2[%dma_wait3A_351, %dma_wait3A_352] : memref<10000x128xf32, #tpu.memory_space<hbm>> -> memref<80x128xf32, #tpu.memory_space<hbm>>
    %dma_wait3A_354 = arith.constant 0 : i32
    %dma_wait3A_355 = arith.constant 0 : i32
    %dma_wait3A_356 = tpu.memref_slice %arg2[%dma_wait3A_354, %dma_wait3A_355] : memref<10000x128xf32, #tpu.memory_space<hbm>> -> memref<80x128xf32, #tpu.memory_space<hbm>>
    tpu.wait_dma2 semaphore(%arg23 : memref<!tpu.dma_semaphore, #tpu.memory_space<semaphore_mem>>) src(%dma_wait3A_356 : memref<80x128xf32, #tpu.memory_space<hbm>>) dst(%arg18 : memref<80x128xf32, #tpu.memory_space<vmem>>)
    %dma_start3A_357 = arith.constant 0 : i32
    %dma_start3A_358 = arith.constant 0 : i32
    %dma_start3A_359 = tpu.memref_slice %arg5[%dma_start3A_357, %dma_start3A_358] : memref<10112x128xf32, #tpu.memory_space<vmem_shared>> -> memref<10112x128xf32, #tpu.memory_space<vmem_shared>>
    tpu.enqueue_indirect_dma source(%arg18 : memref<80x128xf32, #tpu.memory_space<vmem>>) target(%dma_start3A_359 : memref<10112x128xf32, #tpu.memory_space<vmem_shared>>) offsets(%arg12 : memref<80xi32, #tpu.memory_space<vmem>>) semaphore(%arg25 : memref<!tpu.dma_semaphore, #tpu.memory_space<semaphore_mem>>) {add = true}
    %dma_wait3A_360 = arith.constant 0 : i32
    %dma_wait3A_361 = arith.constant 0 : i32
    %dma_wait3A_362 = tpu.memref_slice %arg2[%dma_wait3A_360, %dma_wait3A_361] : memref<10000x128xf32, #tpu.memory_space<hbm>> -> memref<80x128xf32, #tpu.memory_space<hbm>>
    %dma_wait3A_363 = arith.constant 0 : i32
    %dma_wait3A_364 = arith.constant 0 : i32
    %dma_wait3A_365 = tpu.memref_slice %arg2[%dma_wait3A_363, %dma_wait3A_364] : memref<10000x128xf32, #tpu.memory_space<hbm>> -> memref<80x128xf32, #tpu.memory_space<hbm>>
    tpu.wait_dma2 semaphore(%arg27 : memref<!tpu.dma_semaphore, #tpu.memory_space<semaphore_mem>>) src(%dma_wait3A_365 : memref<80x128xf32, #tpu.memory_space<hbm>>) dst(%arg18 : memref<80x128xf32, #tpu.memory_space<vmem>>)
    %min3A_366 = arith.constant 123 : i32
    %min3A_367 = arith.constant 124 : i32
    %min3A_368 = arith.minsi %min3A_366, %min3A_367 : i32
    %mul3A_369 = arith.constant 80 : i32
    %mul3A_370 = arith.muli %min3A_368, %mul3A_369 : i32
    %add3A_371 = arith.addi %mul3A_271, %mul3A_370 : i32
    %multiple_of3A_372 = tpu.assume_multiple %add3A_371, 8 : i32
    %dma_start3A_373 = tpu.memref_slice %arg3[%multiple_of3A_372] : memref<640000xi32, #tpu.memory_space<hbm>> -> memref<80xi32, #tpu.memory_space<hbm>>
    %dma_start3A_374 = tpu.memref_slice %arg3[%multiple_of3A_372] : memref<640000xi32, #tpu.memory_space<hbm>> -> memref<80xi32, #tpu.memory_space<hbm>>
    tpu.enqueue_dma source(%dma_start3A_374 : memref<80xi32, #tpu.memory_space<hbm>>) target(%arg9 : memref<80xi32, #tpu.memory_space<vmem>>) target_semaphore(%arg29 : memref<!tpu.dma_semaphore, #tpu.memory_space<semaphore_mem>>)
    %add3A_375 = arith.constant 320000 : i32
    %add3A_376 = arith.addi %add3A_375, %multiple_of3A_372 : i32
    %dma_start3A_377 = tpu.memref_slice %arg3[%add3A_376] : memref<640000xi32, #tpu.memory_space<hbm>> -> memref<80xi32, #tpu.memory_space<hbm>>
    %dma_start3A_378 = tpu.memref_slice %arg3[%add3A_376] : memref<640000xi32, #tpu.memory_space<hbm>> -> memref<80xi32, #tpu.memory_space<hbm>>
    tpu.enqueue_dma source(%dma_start3A_378 : memref<80xi32, #tpu.memory_space<hbm>>) target(%arg15 : memref<80xi32, #tpu.memory_space<vmem>>) target_semaphore(%arg29 : memref<!tpu.dma_semaphore, #tpu.memory_space<semaphore_mem>>)
    %dma_wait3A_379 = arith.constant 0 : i32
    %dma_wait3A_380 = tpu.memref_slice %arg3[%dma_wait3A_379] : memref<640000xi32, #tpu.memory_space<hbm>> -> memref<80xi32, #tpu.memory_space<hbm>>
    %dma_wait3A_381 = arith.constant 0 : i32
    %dma_wait3A_382 = tpu.memref_slice %arg3[%dma_wait3A_381] : memref<640000xi32, #tpu.memory_space<hbm>> -> memref<80xi32, #tpu.memory_space<hbm>>
    tpu.wait_dma2 semaphore(%arg28 : memref<!tpu.dma_semaphore, #tpu.memory_space<semaphore_mem>>) src(%dma_wait3A_382 : memref<80xi32, #tpu.memory_space<hbm>>) dst(%arg12 : memref<80xi32, #tpu.memory_space<vmem>>)
    %dma_wait3A_383 = arith.constant 0 : i32
    %dma_wait3A_384 = tpu.memref_slice %arg3[%dma_wait3A_383] : memref<640000xi32, #tpu.memory_space<hbm>> -> memref<80xi32, #tpu.memory_space<hbm>>
    %dma_wait3A_385 = arith.constant 0 : i32
    %dma_wait3A_386 = tpu.memref_slice %arg3[%dma_wait3A_385] : memref<640000xi32, #tpu.memory_space<hbm>> -> memref<80xi32, #tpu.memory_space<hbm>>
    tpu.wait_dma2 semaphore(%arg28 : memref<!tpu.dma_semaphore, #tpu.memory_space<semaphore_mem>>) src(%dma_wait3A_386 : memref<80xi32, #tpu.memory_space<hbm>>) dst(%arg12 : memref<80xi32, #tpu.memory_space<vmem>>)
    %dma_start3A_387 = arith.constant 0 : i32
    %dma_start3A_388 = arith.constant 0 : i32
    %dma_start3A_389 = tpu.memref_slice %arg2[%dma_start3A_387, %dma_start3A_388] : memref<10000x128xf32, #tpu.memory_space<hbm>> -> memref<10000x128xf32, #tpu.memory_space<hbm>>
    tpu.enqueue_indirect_dma source(%dma_start3A_389 : memref<10000x128xf32, #tpu.memory_space<hbm>>) target(%arg20 : memref<80x128xf32, #tpu.memory_space<vmem>>) offsets(%arg8 : memref<80xi32, #tpu.memory_space<vmem>>) semaphore(%arg23 : memref<!tpu.dma_semaphore, #tpu.memory_space<semaphore_mem>>)
    %dma_wait3A_390 = arith.constant 0 : i32
    %dma_wait3A_391 = arith.constant 0 : i32
    %dma_wait3A_392 = tpu.memref_slice %arg2[%dma_wait3A_390, %dma_wait3A_391] : memref<10000x128xf32, #tpu.memory_space<hbm>> -> memref<80x128xf32, #tpu.memory_space<hbm>>
    %dma_wait3A_393 = arith.constant 0 : i32
    %dma_wait3A_394 = arith.constant 0 : i32
    %dma_wait3A_395 = tpu.memref_slice %arg2[%dma_wait3A_393, %dma_wait3A_394] : memref<10000x128xf32, #tpu.memory_space<hbm>> -> memref<80x128xf32, #tpu.memory_space<hbm>>
    tpu.wait_dma2 semaphore(%arg24 : memref<!tpu.dma_semaphore, #tpu.memory_space<semaphore_mem>>) src(%dma_wait3A_395 : memref<80x128xf32, #tpu.memory_space<hbm>>) dst(%arg18 : memref<80x128xf32, #tpu.memory_space<vmem>>)
    %dma_start3A_396 = arith.constant 0 : i32
    %dma_start3A_397 = arith.constant 0 : i32
    %dma_start3A_398 = tpu.memref_slice %arg5[%dma_start3A_396, %dma_start3A_397] : memref<10112x128xf32, #tpu.memory_space<vmem_shared>> -> memref<10112x128xf32, #tpu.memory_space<vmem_shared>>
    tpu.enqueue_indirect_dma source(%arg19 : memref<80x128xf32, #tpu.memory_space<vmem>>) target(%dma_start3A_398 : memref<10112x128xf32, #tpu.memory_space<vmem_shared>>) offsets(%arg13 : memref<80xi32, #tpu.memory_space<vmem>>) semaphore(%arg26 : memref<!tpu.dma_semaphore, #tpu.memory_space<semaphore_mem>>) {add = true}
    %dma_wait3A_399 = arith.constant 0 : i32
    %dma_wait3A_400 = arith.constant 0 : i32
    %dma_wait3A_401 = tpu.memref_slice %arg2[%dma_wait3A_399, %dma_wait3A_400] : memref<10000x128xf32, #tpu.memory_space<hbm>> -> memref<80x128xf32, #tpu.memory_space<hbm>>
    %dma_wait3A_402 = arith.constant 0 : i32
    %dma_wait3A_403 = arith.constant 0 : i32
    %dma_wait3A_404 = tpu.memref_slice %arg2[%dma_wait3A_402, %dma_wait3A_403] : memref<10000x128xf32, #tpu.memory_space<hbm>> -> memref<80x128xf32, #tpu.memory_space<hbm>>
    tpu.wait_dma2 semaphore(%arg25 : memref<!tpu.dma_semaphore, #tpu.memory_space<semaphore_mem>>) src(%dma_wait3A_404 : memref<80x128xf32, #tpu.memory_space<hbm>>) dst(%arg18 : memref<80x128xf32, #tpu.memory_space<vmem>>)
    %min3A_405 = arith.constant 124 : i32
    %min3A_406 = arith.constant 124 : i32
    %min3A_407 = arith.minsi %min3A_405, %min3A_406 : i32
    %mul3A_408 = arith.constant 80 : i32
    %mul3A_409 = arith.muli %min3A_407, %mul3A_408 : i32
    %add3A_410 = arith.addi %mul3A_271, %mul3A_409 : i32
    %multiple_of3A_411 = tpu.assume_multiple %add3A_410, 8 : i32
    %dma_start3A_412 = tpu.memref_slice %arg3[%multiple_of3A_411] : memref<640000xi32, #tpu.memory_space<hbm>> -> memref<80xi32, #tpu.memory_space<hbm>>
    %dma_start3A_413 = tpu.memref_slice %arg3[%multiple_of3A_411] : memref<640000xi32, #tpu.memory_space<hbm>> -> memref<80xi32, #tpu.memory_space<hbm>>
    tpu.enqueue_dma source(%dma_start3A_413 : memref<80xi32, #tpu.memory_space<hbm>>) target(%arg10 : memref<80xi32, #tpu.memory_space<vmem>>) target_semaphore(%arg28 : memref<!tpu.dma_semaphore, #tpu.memory_space<semaphore_mem>>)
    %add3A_414 = arith.constant 320000 : i32
    %add3A_415 = arith.addi %add3A_414, %multiple_of3A_411 : i32
    %dma_start3A_416 = tpu.memref_slice %arg3[%add3A_415] : memref<640000xi32, #tpu.memory_space<hbm>> -> memref<80xi32, #tpu.memory_space<hbm>>
    %dma_start3A_417 = tpu.memref_slice %arg3[%add3A_415] : memref<640000xi32, #tpu.memory_space<hbm>> -> memref<80xi32, #tpu.memory_space<hbm>>
    tpu.enqueue_dma source(%dma_start3A_417 : memref<80xi32, #tpu.memory_space<hbm>>) target(%arg16 : memref<80xi32, #tpu.memory_space<vmem>>) target_semaphore(%arg28 : memref<!tpu.dma_semaphore, #tpu.memory_space<semaphore_mem>>)
    %dma_wait3A_418 = arith.constant 0 : i32
    %dma_wait3A_419 = tpu.memref_slice %arg3[%dma_wait3A_418] : memref<640000xi32, #tpu.memory_space<hbm>> -> memref<80xi32, #tpu.memory_space<hbm>>
    %dma_wait3A_420 = arith.constant 0 : i32
    %dma_wait3A_421 = tpu.memref_slice %arg3[%dma_wait3A_420] : memref<640000xi32, #tpu.memory_space<hbm>> -> memref<80xi32, #tpu.memory_space<hbm>>
    tpu.wait_dma2 semaphore(%arg29 : memref<!tpu.dma_semaphore, #tpu.memory_space<semaphore_mem>>) src(%dma_wait3A_421 : memref<80xi32, #tpu.memory_space<hbm>>) dst(%arg12 : memref<80xi32, #tpu.memory_space<vmem>>)
    %dma_wait3A_422 = arith.constant 0 : i32
    %dma_wait3A_423 = tpu.memref_slice %arg3[%dma_wait3A_422] : memref<640000xi32, #tpu.memory_space<hbm>> -> memref<80xi32, #tpu.memory_space<hbm>>
    %dma_wait3A_424 = arith.constant 0 : i32
    %dma_wait3A_425 = tpu.memref_slice %arg3[%dma_wait3A_424] : memref<640000xi32, #tpu.memory_space<hbm>> -> memref<80xi32, #tpu.memory_space<hbm>>
    tpu.wait_dma2 semaphore(%arg29 : memref<!tpu.dma_semaphore, #tpu.memory_space<semaphore_mem>>) src(%dma_wait3A_425 : memref<80xi32, #tpu.memory_space<hbm>>) dst(%arg12 : memref<80xi32, #tpu.memory_space<vmem>>)
    %dma_start3A_426 = arith.constant 0 : i32
    %dma_start3A_427 = arith.constant 0 : i32
    %dma_start3A_428 = tpu.memref_slice %arg2[%dma_start3A_426, %dma_start3A_427] : memref<10000x128xf32, #tpu.memory_space<hbm>> -> memref<10000x128xf32, #tpu.memory_space<hbm>>
    tpu.enqueue_indirect_dma source(%dma_start3A_428 : memref<10000x128xf32, #tpu.memory_space<hbm>>) target(%arg18 : memref<80x128xf32, #tpu.memory_space<vmem>>) offsets(%arg9 : memref<80xi32, #tpu.memory_space<vmem>>) semaphore(%arg24 : memref<!tpu.dma_semaphore, #tpu.memory_space<semaphore_mem>>)
    %dma_wait3A_429 = arith.constant 0 : i32
    %dma_wait3A_430 = arith.constant 0 : i32
    %dma_wait3A_431 = tpu.memref_slice %arg2[%dma_wait3A_429, %dma_wait3A_430] : memref<10000x128xf32, #tpu.memory_space<hbm>> -> memref<80x128xf32, #tpu.memory_space<hbm>>
    %dma_wait3A_432 = arith.constant 0 : i32
    %dma_wait3A_433 = arith.constant 0 : i32
    %dma_wait3A_434 = tpu.memref_slice %arg2[%dma_wait3A_432, %dma_wait3A_433] : memref<10000x128xf32, #tpu.memory_space<hbm>> -> memref<80x128xf32, #tpu.memory_space<hbm>>
    tpu.wait_dma2 semaphore(%arg23 : memref<!tpu.dma_semaphore, #tpu.memory_space<semaphore_mem>>) src(%dma_wait3A_434 : memref<80x128xf32, #tpu.memory_space<hbm>>) dst(%arg18 : memref<80x128xf32, #tpu.memory_space<vmem>>)
    %dma_start3A_435 = arith.constant 0 : i32
    %dma_start3A_436 = arith.constant 0 : i32
    %dma_start3A_437 = tpu.memref_slice %arg5[%dma_start3A_435, %dma_start3A_436] : memref<10112x128xf32, #tpu.memory_space<vmem_shared>> -> memref<10112x128xf32, #tpu.memory_space<vmem_shared>>
    tpu.enqueue_indirect_dma source(%arg20 : memref<80x128xf32, #tpu.memory_space<vmem>>) target(%dma_start3A_437 : memref<10112x128xf32, #tpu.memory_space<vmem_shared>>) offsets(%arg14 : memref<80xi32, #tpu.memory_space<vmem>>) semaphore(%arg27 : memref<!tpu.dma_semaphore, #tpu.memory_space<semaphore_mem>>) {add = true}
    %dma_wait3A_438 = arith.constant 0 : i32
    %dma_wait3A_439 = arith.constant 0 : i32
    %dma_wait3A_440 = tpu.memref_slice %arg2[%dma_wait3A_438, %dma_wait3A_439] : memref<10000x128xf32, #tpu.memory_space<hbm>> -> memref<80x128xf32, #tpu.memory_space<hbm>>
    %dma_wait3A_441 = arith.constant 0 : i32
    %dma_wait3A_442 = arith.constant 0 : i32
    %dma_wait3A_443 = tpu.memref_slice %arg2[%dma_wait3A_441, %dma_wait3A_442] : memref<10000x128xf32, #tpu.memory_space<hbm>> -> memref<80x128xf32, #tpu.memory_space<hbm>>
    tpu.wait_dma2 semaphore(%arg26 : memref<!tpu.dma_semaphore, #tpu.memory_space<semaphore_mem>>) src(%dma_wait3A_443 : memref<80x128xf32, #tpu.memory_space<hbm>>) dst(%arg18 : memref<80x128xf32, #tpu.memory_space<vmem>>)
    %min3A_444 = arith.constant 125 : i32
    %min3A_445 = arith.constant 124 : i32
    %min3A_446 = arith.minsi %min3A_444, %min3A_445 : i32
    %mul3A_447 = arith.constant 80 : i32
    %mul3A_448 = arith.muli %min3A_446, %mul3A_447 : i32
    %add3A_449 = arith.addi %mul3A_271, %mul3A_448 : i32
    %multiple_of3A_450 = tpu.assume_multiple %add3A_449, 8 : i32
    %dma_start3A_451 = tpu.memref_slice %arg3[%multiple_of3A_450] : memref<640000xi32, #tpu.memory_space<hbm>> -> memref<80xi32, #tpu.memory_space<hbm>>
    %dma_start3A_452 = tpu.memref_slice %arg3[%multiple_of3A_450] : memref<640000xi32, #tpu.memory_space<hbm>> -> memref<80xi32, #tpu.memory_space<hbm>>
    tpu.enqueue_dma source(%dma_start3A_452 : memref<80xi32, #tpu.memory_space<hbm>>) target(%arg11 : memref<80xi32, #tpu.memory_space<vmem>>) target_semaphore(%arg29 : memref<!tpu.dma_semaphore, #tpu.memory_space<semaphore_mem>>)
    %add3A_453 = arith.constant 320000 : i32
    %add3A_454 = arith.addi %add3A_453, %multiple_of3A_450 : i32
    %dma_start3A_455 = tpu.memref_slice %arg3[%add3A_454] : memref<640000xi32, #tpu.memory_space<hbm>> -> memref<80xi32, #tpu.memory_space<hbm>>
    %dma_start3A_456 = tpu.memref_slice %arg3[%add3A_454] : memref<640000xi32, #tpu.memory_space<hbm>> -> memref<80xi32, #tpu.memory_space<hbm>>
    tpu.enqueue_dma source(%dma_start3A_456 : memref<80xi32, #tpu.memory_space<hbm>>) target(%arg17 : memref<80xi32, #tpu.memory_space<vmem>>) target_semaphore(%arg29 : memref<!tpu.dma_semaphore, #tpu.memory_space<semaphore_mem>>)
    %dma_wait3A_457 = arith.constant 0 : i32
    %dma_wait3A_458 = tpu.memref_slice %arg3[%dma_wait3A_457] : memref<640000xi32, #tpu.memory_space<hbm>> -> memref<80xi32, #tpu.memory_space<hbm>>
    %dma_wait3A_459 = arith.constant 0 : i32
    %dma_wait3A_460 = tpu.memref_slice %arg3[%dma_wait3A_459] : memref<640000xi32, #tpu.memory_space<hbm>> -> memref<80xi32, #tpu.memory_space<hbm>>
    tpu.wait_dma2 semaphore(%arg28 : memref<!tpu.dma_semaphore, #tpu.memory_space<semaphore_mem>>) src(%dma_wait3A_460 : memref<80xi32, #tpu.memory_space<hbm>>) dst(%arg12 : memref<80xi32, #tpu.memory_space<vmem>>)
    %dma_wait3A_461 = arith.constant 0 : i32
    %dma_wait3A_462 = tpu.memref_slice %arg3[%dma_wait3A_461] : memref<640000xi32, #tpu.memory_space<hbm>> -> memref<80xi32, #tpu.memory_space<hbm>>
    %dma_wait3A_463 = arith.constant 0 : i32
    %dma_wait3A_464 = tpu.memref_slice %arg3[%dma_wait3A_463] : memref<640000xi32, #tpu.memory_space<hbm>> -> memref<80xi32, #tpu.memory_space<hbm>>
    tpu.wait_dma2 semaphore(%arg28 : memref<!tpu.dma_semaphore, #tpu.memory_space<semaphore_mem>>) src(%dma_wait3A_464 : memref<80xi32, #tpu.memory_space<hbm>>) dst(%arg12 : memref<80xi32, #tpu.memory_space<vmem>>)
    %dma_start3A_465 = arith.constant 0 : i32
    %dma_start3A_466 = arith.constant 0 : i32
    %dma_start3A_467 = tpu.memref_slice %arg2[%dma_start3A_465, %dma_start3A_466] : memref<10000x128xf32, #tpu.memory_space<hbm>> -> memref<10000x128xf32, #tpu.memory_space<hbm>>
    tpu.enqueue_indirect_dma source(%dma_start3A_467 : memref<10000x128xf32, #tpu.memory_space<hbm>>) target(%arg19 : memref<80x128xf32, #tpu.memory_space<vmem>>) offsets(%arg10 : memref<80xi32, #tpu.memory_space<vmem>>) semaphore(%arg23 : memref<!tpu.dma_semaphore, #tpu.memory_space<semaphore_mem>>)
    %dma_wait3A_468 = arith.constant 0 : i32
    %dma_wait3A_469 = arith.constant 0 : i32
    %dma_wait3A_470 = tpu.memref_slice %arg2[%dma_wait3A_468, %dma_wait3A_469] : memref<10000x128xf32, #tpu.memory_space<hbm>> -> memref<80x128xf32, #tpu.memory_space<hbm>>
    %dma_wait3A_471 = arith.constant 0 : i32
    %dma_wait3A_472 = arith.constant 0 : i32
    %dma_wait3A_473 = tpu.memref_slice %arg2[%dma_wait3A_471, %dma_wait3A_472] : memref<10000x128xf32, #tpu.memory_space<hbm>> -> memref<80x128xf32, #tpu.memory_space<hbm>>
    tpu.wait_dma2 semaphore(%arg24 : memref<!tpu.dma_semaphore, #tpu.memory_space<semaphore_mem>>) src(%dma_wait3A_473 : memref<80x128xf32, #tpu.memory_space<hbm>>) dst(%arg18 : memref<80x128xf32, #tpu.memory_space<vmem>>)
    %dma_start3A_474 = arith.constant 0 : i32
    %dma_start3A_475 = arith.constant 0 : i32
    %dma_start3A_476 = tpu.memref_slice %arg5[%dma_start3A_474, %dma_start3A_475] : memref<10112x128xf32, #tpu.memory_space<vmem_shared>> -> memref<10112x128xf32, #tpu.memory_space<vmem_shared>>
    tpu.enqueue_indirect_dma source(%arg18 : memref<80x128xf32, #tpu.memory_space<vmem>>) target(%dma_start3A_476 : memref<10112x128xf32, #tpu.memory_space<vmem_shared>>) offsets(%arg15 : memref<80xi32, #tpu.memory_space<vmem>>) semaphore(%arg25 : memref<!tpu.dma_semaphore, #tpu.memory_space<semaphore_mem>>) {add = true}
    %dma_wait3A_477 = arith.constant 0 : i32
    %dma_wait3A_478 = arith.constant 0 : i32
    %dma_wait3A_479 = tpu.memref_slice %arg2[%dma_wait3A_477, %dma_wait3A_478] : memref<10000x128xf32, #tpu.memory_space<hbm>> -> memref<80x128xf32, #tpu.memory_space<hbm>>
    %dma_wait3A_480 = arith.constant 0 : i32
    %dma_wait3A_481 = arith.constant 0 : i32
    %dma_wait3A_482 = tpu.memref_slice %arg2[%dma_wait3A_480, %dma_wait3A_481] : memref<10000x128xf32, #tpu.memory_space<hbm>> -> memref<80x128xf32, #tpu.memory_space<hbm>>
    tpu.wait_dma2 semaphore(%arg23 : memref<!tpu.dma_semaphore, #tpu.memory_space<semaphore_mem>>) src(%dma_wait3A_482 : memref<80x128xf32, #tpu.memory_space<hbm>>) dst(%arg18 : memref<80x128xf32, #tpu.memory_space<vmem>>)
    %dma_start3A_483 = arith.constant 0 : i32
    %dma_start3A_484 = arith.constant 0 : i32
    %dma_start3A_485 = tpu.memref_slice %arg5[%dma_start3A_483, %dma_start3A_484] : memref<10112x128xf32, #tpu.memory_space<vmem_shared>> -> memref<10112x128xf32, #tpu.memory_space<vmem_shared>>
    tpu.enqueue_indirect_dma source(%arg19 : memref<80x128xf32, #tpu.memory_space<vmem>>) target(%dma_start3A_485 : memref<10112x128xf32, #tpu.memory_space<vmem_shared>>) offsets(%arg16 : memref<80xi32, #tpu.memory_space<vmem>>) semaphore(%arg26 : memref<!tpu.dma_semaphore, #tpu.memory_space<semaphore_mem>>) {add = true}
    %dma_wait3A_486 = arith.constant 0 : i32
    %dma_wait3A_487 = arith.constant 0 : i32
    %dma_wait3A_488 = tpu.memref_slice %arg2[%dma_wait3A_486, %dma_wait3A_487] : memref<10000x128xf32, #tpu.memory_space<hbm>> -> memref<80x128xf32, #tpu.memory_space<hbm>>
    %dma_wait3A_489 = arith.constant 0 : i32
    %dma_wait3A_490 = arith.constant 0 : i32
    %dma_wait3A_491 = tpu.memref_slice %arg2[%dma_wait3A_489, %dma_wait3A_490] : memref<10000x128xf32, #tpu.memory_space<hbm>> -> memref<80x128xf32, #tpu.memory_space<hbm>>
    tpu.wait_dma2 semaphore(%arg25 : memref<!tpu.dma_semaphore, #tpu.memory_space<semaphore_mem>>) src(%dma_wait3A_491 : memref<80x128xf32, #tpu.memory_space<hbm>>) dst(%arg18 : memref<80x128xf32, #tpu.memory_space<vmem>>)
    %dma_wait3A_492 = arith.constant 0 : i32
    %dma_wait3A_493 = arith.constant 0 : i32
    %dma_wait3A_494 = tpu.memref_slice %arg2[%dma_wait3A_492, %dma_wait3A_493] : memref<10000x128xf32, #tpu.memory_space<hbm>> -> memref<80x128xf32, #tpu.memory_space<hbm>>
    %dma_wait3A_495 = arith.constant 0 : i32
    %dma_wait3A_496 = arith.constant 0 : i32
    %dma_wait3A_497 = tpu.memref_slice %arg2[%dma_wait3A_495, %dma_wait3A_496] : memref<10000x128xf32, #tpu.memory_space<hbm>> -> memref<80x128xf32, #tpu.memory_space<hbm>>
    tpu.wait_dma2 semaphore(%arg26 : memref<!tpu.dma_semaphore, #tpu.memory_space<semaphore_mem>>) src(%dma_wait3A_497 : memref<80x128xf32, #tpu.memory_space<hbm>>) dst(%arg18 : memref<80x128xf32, #tpu.memory_space<vmem>>)
    %dma_wait3A_498 = arith.constant 0 : i32
    %dma_wait3A_499 = arith.constant 0 : i32
    %dma_wait3A_500 = tpu.memref_slice %arg2[%dma_wait3A_498, %dma_wait3A_499] : memref<10000x128xf32, #tpu.memory_space<hbm>> -> memref<80x128xf32, #tpu.memory_space<hbm>>
    %dma_wait3A_501 = arith.constant 0 : i32
    %dma_wait3A_502 = arith.constant 0 : i32
    %dma_wait3A_503 = tpu.memref_slice %arg2[%dma_wait3A_501, %dma_wait3A_502] : memref<10000x128xf32, #tpu.memory_space<hbm>> -> memref<80x128xf32, #tpu.memory_space<hbm>>
    tpu.wait_dma2 semaphore(%arg27 : memref<!tpu.dma_semaphore, #tpu.memory_space<semaphore_mem>>) src(%dma_wait3A_503 : memref<80x128xf32, #tpu.memory_space<hbm>>) dst(%arg18 : memref<80x128xf32, #tpu.memory_space<vmem>>)
    %dma_wait3A_504 = arith.constant 0 : i32
    %dma_wait3A_505 = arith.constant 0 : i32
    %dma_wait3A_506 = tpu.memref_slice %arg2[%dma_wait3A_504, %dma_wait3A_505] : memref<10000x128xf32, #tpu.memory_space<hbm>> -> memref<80x128xf32, #tpu.memory_space<hbm>>
    %dma_wait3A_507 = arith.constant 0 : i32
    %dma_wait3A_508 = arith.constant 0 : i32
    %dma_wait3A_509 = tpu.memref_slice %arg2[%dma_wait3A_507, %dma_wait3A_508] : memref<10000x128xf32, #tpu.memory_space<hbm>> -> memref<80x128xf32, #tpu.memory_space<hbm>>
    tpu.wait_dma2 semaphore(%arg27 : memref<!tpu.dma_semaphore, #tpu.memory_space<semaphore_mem>>) src(%dma_wait3A_509 : memref<80x128xf32, #tpu.memory_space<hbm>>) dst(%arg18 : memref<80x128xf32, #tpu.memory_space<vmem>>)
    %dma_wait3A_510 = arith.constant 0 : i32
    %dma_wait3A_511 = tpu.memref_slice %arg3[%dma_wait3A_510] : memref<640000xi32, #tpu.memory_space<hbm>> -> memref<80xi32, #tpu.memory_space<hbm>>
    %dma_wait3A_512 = arith.constant 0 : i32
    %dma_wait3A_513 = tpu.memref_slice %arg3[%dma_wait3A_512] : memref<640000xi32, #tpu.memory_space<hbm>> -> memref<80xi32, #tpu.memory_space<hbm>>
    tpu.wait_dma2 semaphore(%arg29 : memref<!tpu.dma_semaphore, #tpu.memory_space<semaphore_mem>>) src(%dma_wait3A_513 : memref<80xi32, #tpu.memory_space<hbm>>) dst(%arg12 : memref<80xi32, #tpu.memory_space<vmem>>)
    %dma_wait3A_514 = arith.constant 0 : i32
    %dma_wait3A_515 = tpu.memref_slice %arg3[%dma_wait3A_514] : memref<640000xi32, #tpu.memory_space<hbm>> -> memref<80xi32, #tpu.memory_space<hbm>>
    %dma_wait3A_516 = arith.constant 0 : i32
    %dma_wait3A_517 = tpu.memref_slice %arg3[%dma_wait3A_516] : memref<640000xi32, #tpu.memory_space<hbm>> -> memref<80xi32, #tpu.memory_space<hbm>>
    tpu.wait_dma2 semaphore(%arg29 : memref<!tpu.dma_semaphore, #tpu.memory_space<semaphore_mem>>) src(%dma_wait3A_517 : memref<80xi32, #tpu.memory_space<hbm>>) dst(%arg12 : memref<80xi32, #tpu.memory_space<vmem>>)
    %barrier3A_518 = arith.constant 0 : index
    tpu.barrier barrier_id(%barrier3A_518)
    "tpu.region"() ({
      %run_scoped3A = tpu.sem_alloc : memref<!tpu.dma_semaphore, #tpu.memory_space<semaphore_mem>>
      %dma_start3A_519 = arith.constant 0 : i32
      %dma_start3A_520 = tpu.memref_slice %arg4[%arg0, %multiple_of3A, %dma_start3A_519] : memref<2x10112x128xf32, #tpu.memory_space<hbm>> -> memref<1x632x128xf32, #tpu.memory_space<hbm>>
      %dma_start3A_521 = tpu.memref_squeeze %dma_start3A_520 : memref<1x632x128xf32, #tpu.memory_space<hbm>> -> memref<632x128xf32, #tpu.memory_space<hbm>>
      %dma_start3A_522 = arith.constant 0 : i32
      %dma_start3A_523 = tpu.memref_slice %arg5[%multiple_of3A, %dma_start3A_522] : memref<10112x128xf32, #tpu.memory_space<vmem_shared>> -> memref<632x128xf32, #tpu.memory_space<vmem_shared>>
      tpu.enqueue_dma source(%dma_start3A_523 : memref<632x128xf32, #tpu.memory_space<vmem_shared>>) target(%dma_start3A_521 : memref<632x128xf32, #tpu.memory_space<hbm>>) target_semaphore(%run_scoped3A : memref<!tpu.dma_semaphore, #tpu.memory_space<semaphore_mem>>)
      %dma_wait3A_524 = arith.constant 0 : i32
      %dma_wait3A_525 = tpu.memref_slice %arg4[%arg0, %multiple_of3A, %dma_wait3A_524] : memref<2x10112x128xf32, #tpu.memory_space<hbm>> -> memref<1x632x128xf32, #tpu.memory_space<hbm>>
      %dma_wait3A_526 = tpu.memref_squeeze %dma_wait3A_525 : memref<1x632x128xf32, #tpu.memory_space<hbm>> -> memref<632x128xf32, #tpu.memory_space<hbm>>
      %dma_wait3A_527 = arith.constant 0 : i32
      %dma_wait3A_528 = tpu.memref_slice %arg5[%multiple_of3A, %dma_wait3A_527] : memref<10112x128xf32, #tpu.memory_space<vmem_shared>> -> memref<632x128xf32, #tpu.memory_space<vmem_shared>>
      tpu.wait_dma2 semaphore(%run_scoped3A : memref<!tpu.dma_semaphore, #tpu.memory_space<semaphore_mem>>) src(%dma_wait3A_528 : memref<632x128xf32, #tpu.memory_space<vmem_shared>>) dst(%dma_wait3A_526 : memref<632x128xf32, #tpu.memory_space<hbm>>)
      tpu.yield
    }) : () -> ()
    return
  }
}

module attributes {stable_mosaic.version = 14 : i64} {
  func.func @body(%arg0: i32, %arg1: memref<1x2000x128xf32, #tpu.memory_space<vmem>>, %arg2: memref<1x2000x128xf32, #tpu.memory_space<vmem>>, %arg3: memref<128x128xf32, #tpu.memory_space<vmem>>, %arg4: memref<1x128xf32, #tpu.memory_space<vmem>>, %arg5: memref<2000x128xf32, #tpu.memory_space<vmem>>) attributes {dimension_semantics = [#tpu.dimension_semantics<arbitrary>], iteration_bounds = array<i64: 5>, scalar_prefetch = 0 : i64, scratch_operands = 0 : i64, tpu.core_type = #tpu.core_type<tc>, window_params = [{transform_indices = @transform_0, window_bounds = array<i64: 1, 2000, 128>}, {transform_indices = @transform_1, window_bounds = array<i64: 1, 2000, 128>}, {pipeline_mode = #tpu.pipeline_mode<synchronous>, transform_indices = @transform_2, window_bounds = array<i64: 128, 128>}, {pipeline_mode = #tpu.pipeline_mode<synchronous>, transform_indices = @transform_3, window_bounds = array<i64: 1, 128>}, {transform_indices = @transform_4, window_bounds = array<i64: 2000, 128>}]} {
    %get3A = arith.constant 0 : index
    %get3A_0 = arith.constant 0 : index
    %get3A_1 = arith.constant 0 : index
    %get3A_2 = vector.load %arg1[%get3A, %get3A_0, %get3A_1] : memref<1x2000x128xf32, #tpu.memory_space<vmem>>, vector<1x2000x128xf32>
    %get3A_3 = vector.shape_cast %get3A_2 : vector<1x2000x128xf32> to vector<2000x128xf32>
    %get3A_4 = arith.constant 0 : index
    %get3A_5 = arith.constant 0 : index
    %get3A_6 = arith.constant 0 : index
    %get3A_7 = vector.load %arg2[%get3A_4, %get3A_5, %get3A_6] : memref<1x2000x128xf32, #tpu.memory_space<vmem>>, vector<1x2000x128xf32>
    %get3A_8 = vector.shape_cast %get3A_7 : vector<1x2000x128xf32> to vector<2000x128xf32>
    %add3A = arith.addf %get3A_3, %get3A_8 : vector<2000x128xf32>
    %get3A_9 = arith.constant 0 : index
    %get3A_10 = arith.constant 0 : index
    %get3A_11 = vector.load %arg3[%get3A_9, %get3A_10] : memref<128x128xf32, #tpu.memory_space<vmem>>, vector<128x128xf32>
    %dot_general3A = arith.constant dense<0.000000e+00> : vector<2000x128xf32>
    %dot_general3A_12 = tpu.matmul %add3A, %get3A_11, %dot_general3A {dimension_numbers = #tpu.dot_dimension_numbers<[1], [0], [0], [1], [0, 0, 1, 1], [], []>, transpose_lhs_hint = false} : vector<2000x128xf32>, vector<128x128xf32>, vector<2000x128xf32> -> vector<2000x128xf32>
    %get3A_13 = arith.constant 0 : index
    %get3A_14 = arith.constant 0 : index
    %get3A_15 = vector.load %arg4[%get3A_13, %get3A_14] : memref<1x128xf32, #tpu.memory_space<vmem>>, vector<1x128xf32>
    %add3A_16 = vector.broadcast %get3A_15 : vector<1x128xf32> to vector<2000x128xf32>
    %add3A_17 = arith.addf %dot_general3A_12, %add3A_16 : vector<2000x128xf32>
    %swap3A = arith.constant 0 : index
    %swap3A_18 = arith.constant 0 : index
    %swap3A_19 = vector.load %arg5[%swap3A, %swap3A_18] : memref<2000x128xf32, #tpu.memory_space<vmem>>, vector<2000x128xf32>
    tpu.vector_store %arg5[%swap3A, %swap3A_18], %add3A_17 {strides = array<i32>} : memref<2000x128xf32, #tpu.memory_space<vmem>>, vector<2000x128xf32>,
    return
  }
  func.func @transform_0(%arg0: i32) -> (i32, i32, i32) {
    %c0_i32 = arith.constant 0 : i32
    %c0_i32_0 = arith.constant 0 : i32
    %c0_i32_1 = arith.constant 0 : i32
    return %c0_i32, %arg0, %c0_i32_0 : i32, i32, i32
  }
  func.func @transform_1(%arg0: i32) -> (i32, i32, i32) {
    %c1_i32 = arith.constant 1 : i32
    %c0_i32 = arith.constant 0 : i32
    %c0_i32_0 = arith.constant 0 : i32
    return %c1_i32, %arg0, %c0_i32 : i32, i32, i32
  }
  func.func @transform_2(%arg0: i32) -> (i32, i32) {
    %c0_i32 = arith.constant 0 : i32
    %c0_i32_0 = arith.constant 0 : i32
    %c0_i32_1 = arith.constant 0 : i32
    return %c0_i32, %c0_i32_0 : i32, i32
  }
  func.func @transform_3(%arg0: i32) -> (i32, i32) {
    %c0_i32 = arith.constant 0 : i32
    %c0_i32_0 = arith.constant 0 : i32
    %c0_i32_1 = arith.constant 0 : i32
    return %c0_i32, %c0_i32_0 : i32, i32
  }
  func.func @transform_4(%arg0: i32) -> (i32, i32) {
    %c0_i32 = arith.constant 0 : i32
    %c0_i32_0 = arith.constant 0 : i32
    return %arg0, %c0_i32 : i32, i32
  }
}

</mosaic_0001>

<sc_bundles>
// kernel: kernel.4.cloned.1.call-start
scs
__scs_entry_jumppad:
0x0: {  	(pc) =	sbr.rel $0x88, $3  }
0x1: {  	(tag) =	ssettag $0x0;
	lr =	simm.s32 $0x1  }
0x2: {  	[smem:$0x3F9D] =	sst lr;
	_ =	strace $0xD0000000  }
0x3: {  	_ = 	snop  }
0x4: {  	_ = 	snop  }
0x5: {  	_ = 	snop  }
0x6: {  	_ = 	snop  }
0x7: {  	_ = 	snop  }
__scs_overlays_trampoline_lowered:
0x8: {  	[smem:$0x3FAC] =	sst s0  }
0x9: {  	[smem:$0x3FAD] =	sst s1  }
0xa: {  	[smem:$0x3FAE] =	sst s2  }
0xb: {  	[smem:$0x3FAF] =	sst s3  }
0xc: {  	[smem:$0x3FB0] =	sst s4  }
0xd: {  	[smem:$0x3FB1] =	sst s5  }
0xe: {  	[smem:$0x3FB2] =	sst s6  }
0xf: {  	[smem:$0x3FB3] =	sst s7  }
0x10: {  	[smem:$0x3FB4] =	sst s8  }
0x11: {  	[smem:$0x3FB5] =	sst s9;
	s0 =	simm.s32 @!p0 $0x0  }
0x12: {  	s1 =	sld [smem:$0x3F9B];
	s0 =	simm.s32 @p0 $0x1  }
0x13: {  	[smem:$0x3FB6] =	sst s0;
	s0 =	simm.s32 @!p1 $0x0  }
0x14: {  	s2 =	sld [smem:$0x3F9A];
	s0 =	simm.s32 @p1 $0x1  }
0x15: {  	[smem:$0x3FB7] =	sst s0;
	s0 =	simm.s32 @!p2 $0x0  }
0x16: {  	s3 =	sld [smem:$0x3FDB];
	s0 =	simm.s32 @p2 $0x1  }
0x17: {  	s4 =	simm.s32 $0x1BF5;
	[smem:$0x3FB9] =	sst s0  }
0x18: {  	s0 =	sld [smem:$0x3F9C];
	_ =	swait.ge [sflag:s4], $0x0  }
0x19: {  	s7 =	sld [smem:$0x3F9D]  }
0x1a: {  	s8 =	sadd.s32 $0xFFFFE003, lr  }
0x1b: {  	s9 =	sadd.s32 $0xFFFFFEF7, lr;
	s5 =	simm.s32 $0xFFFFFFFF;
	p2 =	slt.u32 s8, $0xFFFFF086  }
0x1c: {  	p1 =	slt.u32 s9, $0xF7A;
	s5 =	simm.s32 @!p2 $0x0  }
0x1d: {  	s5 =	simm.s32 @p1 $0x1;
	p0 =	seq.s32 s7, s2  }
0x1e: {  	s7 =	smul.u32 @!p0 $0xF7A, s2;
	p2 =	seq.s32 @!p0 s5, $0x0  }
0x1f: {  	s9 =	smul.u32 $0xF7A, s1;
	s8 =	simm.s32 @!p0 $0x1BF5;
	p2 =	por !p2, p0  }
0x20: {  	[sflag:s8] =	ssyncset.s32 @!p0 $0xFFFFF086;
	s6 =	sadd.s32 @!p0 s3, s7;
	s7 =	simm.s32 @!p0 $0x108  }
0x21: {  	s3 =	sadd.s32 s3, s9;
	s6 =	sadd.s32 @!p0 $0x88, s6;
	s7 =	simm.s32 @p2 $0x1082  }
0x22: {  	[simem:s7], [sflag:s8] =	dma.local @!p0 [hbm:s6], $0xF7A  }
0x23: {  	s9 =	sor.u32 $0xD0000000, s2;
	s6 =	simm.s32 $0x108;
	_ =	swait.ge @!p0 [sflag:s8], $0x0  }
0x24: {  	s3 =	sadd.s32 $0x88, s3;
	s6 =	simm.s32 @!p1 $0x1082;
	[sflag:s4] =	ssyncset.s32 $0xFFFFF086  }
0x25: {  	[simem:s6], [sflag:s4] =	dma.local [hbm:s3], $0xF7A  }
0x26: {  	[smem:$0x3F9D] =	sst s1;
	(tag) =	ssettag s2;
	_ =	strace s9  }
0x27: {  	s1 =	sld [smem:$0x3FAD]  }
0x28: {  	s2 =	sld [smem:$0x3FAE]  }
0x29: {  	s4 =	sld [smem:$0x3FB0]  }
0x2a: {  	p0 =	seq.s32 s5, $0x0;
	s5 =	sld [smem:$0x3FB1]  }
0x2b: {  	s6 =	sld [smem:$0x3FB2]  }
0x2c: {  	s7 =	sld [smem:$0x3FB3]  }
0x2d: {  	s3 =	simm.s32 $0x108;
	s8 =	sld [smem:$0x3FB4]  }
0x2e: {  	s3 =	simm.s32 @!p0 $0x1082;
	s9 =	sld [smem:$0x3FB5]  }
0x2f: {  	lr =	sadd.s32 s0, s3;
	s0 =	sld [smem:$0x3FAC]  }
0x30: {  	s3 =	sld [smem:$0x3FAF]  }
0x31: {  	[smem:$0x3FB8] =	sst s10  }
0x32: {  	s10 =	sld [smem:$0x3FB6];
	_ =	sdelay $0x3  }
0x33: {  	p0 =	seq.s32 s10, $0x1;
	s10 =	sld [smem:$0x3FB8];
	_ =	sdelay $0x3  }
0x34: {  	[smem:$0x3FB8] =	sst s10  }
0x35: {  	s10 =	sld [smem:$0x3FB7];
	_ =	sdelay $0x3  }
0x36: {  	p1 =	seq.s32 s10, $0x1;
	s10 =	sld [smem:$0x3FB8];
	_ =	sdelay $0x3  }
0x37: {  	[smem:$0x3FB8] =	sst s10  }
0x38: {  	s10 =	sld [smem:$0x3FB9]  }
0x39: {  	_ = 	snop;
	(pc) =	sbr.ind lr, $3  }
0x3a: {  	_ = 	snop  }
0x3b: {  	_ = 	snop  }
0x3c: {  	p2 =	seq.s32 s10, $0x1;
	s10 =	sld [smem:$0x3FB8]  }
0x3d: {  	_ =	shalt  }
0x3e: {  	_ =	shalt  }
0x3f: {  	_ =	shalt  }
0x40: {  	_ =	shalt  }
0x41: {  	_ =	shalt  }
0x42: {  	_ =	shalt  }
0x43: {  	_ =	shalt  }
0x44: {  	_ =	shalt  }
0x45: {  	_ =	shalt  }
0x46: {  	_ =	shalt  }
0x47: {  	_ =	shalt  }
0x48: {  	_ =	shalt  }
0x49: {  	_ =	shalt  }
0x4a: {  	_ =	shalt  }
0x4b: {  	_ =	shalt  }
0x4c: {  	_ =	shalt  }
0x4d: {  	_ =	shalt  }
0x4e: {  	_ =	shalt  }
0x4f: {  	_ =	shalt  }
0x50: {  	_ =	shalt  }
0x51: {  	_ =	shalt  }
0x52: {  	_ =	shalt  }
0x53: {  	_ =	shalt  }
0x54: {  	_ =	shalt  }
0x55: {  	_ =	shalt  }
0x56: {  	_ =	shalt  }
0x57: {  	_ =	shalt  }
0x58: {  	_ =	shalt  }
0x59: {  	_ =	shalt  }
0x5a: {  	_ =	shalt  }
0x5b: {  	_ =	shalt  }
0x5c: {  	_ =	shalt  }
0x5d: {  	_ =	shalt  }
0x5e: {  	_ =	shalt  }
0x5f: {  	_ =	shalt  }
0x60: {  	_ =	shalt  }
0x61: {  	_ =	shalt  }
0x62: {  	_ =	shalt  }
0x63: {  	_ =	shalt  }
0x64: {  	_ =	shalt  }
0x65: {  	_ =	shalt  }
0x66: {  	_ =	shalt  }
0x67: {  	_ =	shalt  }
0x68: {  	_ =	shalt  }
0x69: {  	_ =	shalt  }
0x6a: {  	_ =	shalt  }
0x6b: {  	_ =	shalt  }
0x6c: {  	_ =	shalt  }
0x6d: {  	_ =	shalt  }
0x6e: {  	_ =	shalt  }
0x6f: {  	_ =	shalt  }
0x70: {  	_ =	shalt  }
0x71: {  	_ =	shalt  }
0x72: {  	_ =	shalt  }
0x73: {  	_ =	shalt  }
0x74: {  	_ =	shalt  }
0x75: {  	_ =	shalt  }
0x76: {  	_ =	shalt  }
0x77: {  	_ =	shalt  }
0x78: {  	_ =	shalt  }
0x79: {  	_ =	shalt  }
0x7a: {  	_ =	shalt  }
0x7b: {  	_ =	shalt  }
0x7c: {  	_ =	shalt  }
0x7d: {  	_ =	shalt  }
0x7e: {  	_ =	shalt  }
0x7f: {  	_ =	shalt  }
0x80: {  	_ =	shalt  }
0x81: {  	_ =	shalt  }
0x82: {  	_ =	shalt  }
0x83: {  	_ =	shalt  }
0x84: {  	_ =	shalt  }
0x85: {  	_ =	shalt  }
0x86: {  	_ =	shalt  }
0x87: {  	_ =	shalt  }
.Lfunc_end0:
.L_simem_size_0:
called_computation_lowered:
.L_overlay_start_0:
0x88: {  	s2 =	sld [smem:$0x3FD9]  }
0x89: {  	s3 =	sld [smem:$0x3FFE];
	_ =	sdelay $0x1  }
0x8a: {  	s1 =	srdreg.scid  }
0x8b: {  	s0 =	sand.u32 $0x1, s1  }
0x8c: {  	s17 =	sshll.u32 s0, $0xA;
	s2 =	sadd.s32 s3, s2  }
0x8d: {  	s2 =	sadd.s32 s2, s17  }
0x8e: {  	[smem:$0x3FC4] =	sst s2  }
0x8f: {  	_ = 	snop  }
0x90: {  	s2 =	sld [smem:$0x3FC9]  }
0x91: {  	s18 =	sld [smem:$0x3FD0];
	(tm) =	ssettm $0x1  }
0x92: {  	s4 =	sld [smem:$0x3FFB];
	_ =	sdelay $0x3  }
0x93: {  	_ =	strace s4  }
0x94: {  	s4 =	sld [smem:$0x3FFC];
	_ =	sdelay $0x3  }
0x95: {  	_ =	strace s4  }
0x96: {  	s4 =	sld [smem:$0x3FFD];
	_ =	sdelay $0x3  }
0x97: {  	_ =	strace s4  }
0x98: {  	_ =	strace $0x8FFFFFFF  }
0x99: {  	s19 =	sld [smem:$0x3FDB];
	_ =	sdelay $0x1  }
0x9a: {  	s5 =	simm.s32 $_scs_section_size  }
0x9b: {  	s6 =	simm.s32 $_size__tile_overlayer_lowered;
	s7 =	simm.s32 $_tile_overlayer_lowered  }
0x9c: {  	s22 =	simm.s32 $0x1BFF;
	s21 =	sshll.u32 s7, $0x1;
	s4 =	sadd.s32 s5, s19  }
0x9d: {  	s8 =	simm.s32 $0x0;
	s20 =	sshll.u32 s6, $0x1;
	s6 =	sadd.s32 s21, s4  }
0x9e: {  	[timem:s8], [sflag:s22] =	dma.local [hbm:s6], s20  }
0x9f: {  	_ =	swait.ge [sflag:s22], s20  }
0xa0: {  	s5 =	ssub.s32 $0x0, s20;
	[sflag:s22] =	ssyncset.done $0x0  }
0xa1: {  	[sflag:s22] =	ssyncadd.s32 s5;
	_ =	sdelay $0x1  }
0xa2: {  	s23 =	simm.s32 $0x1B8B  }
0xa3: {  	_ =	swait.ge [sflag:s23], $0x1  }
0xa4: {  	[sflag:s23] =	ssyncset.done $0x0  }
0xa5: {  	s25 =	simm.s32 $0x1B8E;
	s24 =	sld [smem:$0x3FFE];
	[sflag:s23] =	ssyncadd.s32 $0xFFFFFFFF  }
0xa6: {  	s26 =	simm.s32 $execute0_lowered;
	[smem:$0x3FD2] =	sst s25  }
0xa7: {  	s6 =	sshll.u32 s26, $0x1;
	_ =	strace $0x80000046;
	[dreg:$0x1] =	wrdreg $0xFFFFFFFF  }
0xa8: {  	s28 =	simm.s32 $_size_execute0_lowered;
	s4 =	sadd.s32 s4, s6;
	[dreg:$0x0] =	wrdreg $0x0  }
0xa9: {  	s6 =	sshll.u32 s28, $0x1;
	[dreg:$0x2] =	wrdreg s4  }
0xaa: {  	[dreg:$0x3] =	wrdreg s6  }
0xab: {  	[dreg:$0x4] =	wrdreg $0xC0  }
0xac: {  	_ =	task [dreg:s8], $0x5FFFF  }
0xad: {  	[dreg:$0x1] =	wrdreg $0xFFFFFFFF  }
0xae: {  	[dreg:$0x0] =	wrdreg $0x60  }
0xaf: {  	[dreg:$0x2] =	wrdreg s2  }
0xb0: {  	[dreg:$0x3] =	wrdreg s18  }
0xb1: {  	[dreg:$0x4] =	wrdreg s24  }
0xb2: {  	[dreg:$0x5] =	wrdreg $0x0  }
0xb3: {  	[dreg:$0x6] =	wrdreg $0x9  }
0xb4: {  	_ =	task.clear_ibuf [dreg:s8], $0x7FFFF;
	_ =	strace $0x90000046  }
0xb5: {  	s29 =	simm.s32 $0x9;
	_ =	strace $0x80000048  }
0xb6: {  	_ =	swait.ge [sflag:s29], $0x1  }
0xb7: {  	[sflag:s29] =	ssyncadd.s32 $0xFFFFFFFF  }
0xb8: {  	_ =	strace $0x90000048  }
0xb9: {  	_ =	sfence  }
0xba: {  	s30 =	sld [smem:$0x0];
	_ =	sdelay $0x2  }
0xbb: {  	s31 =	sshll.u32 s1, $0xD;
	s1 =	sshrl.u32 s1, $0x2  }
0xbc: {  	s3 =	sand.u32 $0x4000, s31;
	s1 =	sadd.s32 s1, s30  }
0xbd: {  	s0 =	sor.u32 s3, s0;
	s1 =	sshll.u32 s1, $0x11  }
0xbe: {  	s0 =	sor.u32 s1, s0  }
0xbf: {  	s0 =	sadd.s32 $0x8F2B, s0  }
0xc0: {  	[sflag:s0] =	ssyncadd.remote.s32 $0x1  }
0xc1: {  	_ =	sfence.sel $0xFFFF  }
0xc2: {  	[dreg:$0x0] =	wrdreg $0xFFFFFFFF;
	(pc) =	sbr.abs _section_cstart, $3  }
0xc3: {  	[dreg:$0x1] =	wrdreg $0xFFFFFFFF  }
0xc4: {  	_ =	task.clear_ibuf [dreg:s8], $0x2FFFF;
	_ =	strace $0x9FFFFFFF  }
0xc5: {  	(tm) =	ssettm $0x7FFFFFFF  }
tec
execute0_lowered:
.L_overlay_start_1:
0x0: {  	(tag) =	ssettag $0x1  }
0x1: {  	s1 =	rddreg [dreg:$0x0]  }
0x2: {  	s25 =	rddreg [dreg:$0x1]  }
0x3: {  	s0 =	srdreg.scid;
	s3 =	rddreg [dreg:$0x2]  }
0x4: {  	s2 =	stileid.u32;
	s4 =	rddreg [dreg:$0x3];
	s5 =	simm.s32 $0x0  }
0x5: {  	s29 =	simm.s32 $0x14200;
	s30 =	simm.s32 $0x1;
	s7 =	smul.u32 $0x13C00, s2  }
0x6: {  	s31 =	simm.s32 $0x16A00;
	s6 =	sand.u32 $0x1, s0;
	s15 =	smul.u32 $0x4F000, s2  }
0x7: {  	[smem:$0x7FF] =	sst s5;
	s20 =	smul.u32 $0x4E20, s2;
	s26 =	sadd.s32 $0x139800, s4  }
0x8: {  	s8 =	sshll.u32 s2, $0x1;
	s0 =	smul.u32 $0x13C000, s6;
	_ =	strace $0x80000047  }
0x9: {  	s16 =	ssub.s32 $0x2, s6;
	s8 =	sor.u32 s6, s8;
	s6 =	smul.u32 $0x2710, s6  }
0xa: {  	[dreg:$0x18] =	wrdreg s26;
	s9 =	sshrl.u32 s16, $0x1;
	s17 =	smul.u32 $0x2710, s8  }
0xb: {  	s0 =	sadd.s32 s7, s0;
	s7 =	sshrl.u32 s15, $0x2;
	s6 =	sadd.s32 s6, s20  }
0xc: {  	s0 =	sshrl.u32 s0, $0x3;
	s28 =	sadd.s32 s7, s4;
	s10 =	sadd.s32 $0x4E3E0, s6  }
0xd: {  	s12 =	sadd.s32 $0x190, s6;
	s7 =	sadd.s32 $0x2800, s28;
	[dreg:$0x10] =	wrdreg s28  }
0xe: {  	s15 =	sadd.s32 $0x4E390, s6;
	s18 =	sadd.s32 $0x5000, s28;
	[dreg:$0x11] =	wrdreg s7  }
0xf: {  	s26 =	sadd.s32 $0xA0, s6;
	s19 =	sadd.s32 $0x7800, s28;
	[dreg:$0x12] =	wrdreg s18  }
0x10: {  	s0 =	sadd.s32 s0, s3;
	s21 =	sadd.s32 $0xA000, s28;
	[dreg:$0x13] =	wrdreg s19  }
0x11: {  	s3 =	ssub.s32 s16, s9;
	s22 =	sadd.s32 $0xC800, s28;
	[dreg:$0x14] =	wrdreg s21  }
0x12: {  	s23 =	sadd.s32 $0xF000, s28;
	s24 =	sadd.s32 $0x11800, s28;
	[dreg:$0x15] =	wrdreg s22  }
0x13: {  	s8 =	sshrl.u32 s12, $0x3;
	s16 =	sshrl.u32 s15, $0x3;
	[dreg:$0x16] =	wrdreg s23  }
0x14: {  	s12 =	sadd.s32 $0x4E2A0, s6;
	s15 =	sadd.s32 $0x4E250, s6;
	[dreg:$0x17] =	wrdreg s24  }
0x15: {  	s7 =	sshrl.u32 s17, $0x3;
	s14 =	sadd.s32 s8, s25;
	s17 =	sadd.s32 $0x140, s6  }
0x16: {  	s18 =	sadd.s32 $0x4E340, s6;
	s22 =	sadd.s32 $0xF0, s6;
	s24 =	sadd.s32 $0x4E2F0, s6  }
0x17: {  	s0 =	sadd.s32 $0xA00, s0;
	s2 =	sadd.s32 s25, s7;
	[dreg:$0x6] =	wrdreg s14  }
0x18: {  	s23 =	sshrl.u32 s22, $0x3;
	[smem:$0x7F9] =	sst s0;
	s22 =	smax.u32 s3, $0x1  }
0x19: {  	s8 =	sshrl.u32 s17, $0x3;
	s20 =	sshrl.u32 s18, $0x3;
	[smem:$0x7FA] =	sst s22  }
0x1a: {  	s14 =	sadd.s32 $0x50, s6;
	s7 =	sadd.s32 $0x9C40, s2;
	[dreg:$0x19] =	wrdreg s2  }
0x1b: {  	s17 =	sshrl.u32 s15, $0x3;
	s9 =	sadd.s32 $0x4BA, s2;
	[dreg:$0x1a] =	wrdreg s7  }
0x1c: {  	s3 =	simm.s32 $0x19200;
	s11 =	sadd.s32 $0xA0FA, s2;
	[dreg:$0x1b] =	wrdreg s9  }
0x1d: {  	s15 =	simm.s32 $0x13E00;
	s13 =	sadd.s32 $0x4C4, s2;
	[dreg:$0x1c] =	wrdreg s11  }
0x1e: {  	s19 =	sadd.s32 s8, s25;
	s21 =	sadd.s32 s20, s25;
	[dreg:$0x1d] =	wrdreg s13  }
0x1f: {  	s8 =	sshrl.u32 s24, $0x3;
	s18 =	sadd.s32 $0xA104, s2;
	[dreg:$0x8] =	wrdreg s19  }
0x20: {  	s20 =	sadd.s32 $0x4CE, s2;
	s24 =	sadd.s32 $0x4D8, s2;
	[dreg:$0x9] =	wrdreg s21  }
0x21: {  	s22 =	simm.s32 $0x13F80;
	s7 =	sshrl.u32 s10, $0x3;
	[dreg:$0x1e] =	wrdreg s18  }
0x22: {  	s8 =	sadd.s32 s8, s25;
	s10 =	sshrl.u32 s26, $0x3;
	[dreg:$0x1f] =	wrdreg s20  }
0x23: {  	s13 =	sshrl.u32 s12, $0x3;
	s19 =	sadd.s32 s17, s25;
	[smem:$0x7FC] =	sst s24  }
0x24: {  	s21 =	sadd.s32 $0xA10E, s2;
	s26 =	sadd.s32 $0xA118, s2;
	[dreg:$0xb] =	wrdreg s8  }
0x25: {  	s12 =	simm.s32 $0x50;
	s17 =	simm.s32 $0x4;
	[dreg:$0xf] =	wrdreg s19  }
0x26: {  	s20 =	simm.s32 $0x7;
	s18 =	simm.s32 $0x13E80;
	[smem:$0x7F8] =	sst s21  }
0x27: {  	s24 =	simm.s32 $0x13F00;
	s7 =	sadd.s32 s7, s25;
	[smem:$0x7FD] =	sst s26  }
0x28: {  	s11 =	sadd.s32 s10, s25;
	s8 =	sshrl.u32 s14, $0x3;
	[dreg:$0x5] =	wrdreg s7  }
0x29: {  	s21 =	simm.s32 $0x5;
	s7 =	sadd.s32 s16, s25;
	[dreg:$0xc] =	wrdreg s11  }
0x2a: {  	s19 =	simm.s32 $0x13D00;
	s16 =	sadd.s32 s8, s25;
	[dreg:$0x7] =	wrdreg s7  }
0x2b: {  	s8 =	simm.s32 $0x3;
	s7 =	sadd.s32 s23, s25;
	[dreg:$0xe] =	wrdreg s16  }
0x2c: {  	v5 =	vlaneseq.u32;
	s11 =	simm.s32 $0x6;
	s23 =	sadd.s32 $0x1E0, s6;
	[dreg:$0xa] =	wrdreg s7  }
0x2d: {  	v0 =	vimm.f32 $0.0e+00;
	v1 =	vor.u32 $0x2710, v5;
	v2 =	vor.u32 $0x2720, v5;
	s7 =	sadd.s32 s13, s25;
	[smem:$0x7FB] =	sst s23;
	s13 =	simm.s32 $0x2  }
0x2e: {  	v3 =	vor.u32 $0x2730, v5;
	v4 =	vor.u32 $0x2740, v5;
	v5 =	vor.u32 $0x2750, v5;
	s23 =	simm.s32 $0x13D80;
	[dreg:$0xd] =	wrdreg s7;
	s7 =	simm.s32 $0x0  }
.LBB2_1:
0x2f: {  	[smem:$0x7F7] =	sst s7;
	s14 =	simm.s32 $0x0;
	s26 =	simm.s32 $0x200  }
.LBB2_2:
0x30: {  	p0 =	sne.s32 s26, $0x9E00;
	[tilespmem:s14+$0x14270] =	vst v0  }
0x31: {  	[tilespmem:s14+$0x14200] =	vst v0  }
0x32: {  	[tilespmem:s14+$0x14210] =	vst v0  }
.Ltmp0:
0x33: {  	[tilespmem:s14+$0x14220] =	vst v0;
	(pc) =	sbr.rel @p0 .LBB2_2-.Ltmp0, $4  }
0x34: {  	[tilespmem:s14+$0x14230] =	vst v0  }
0x35: {  	[tilespmem:s14+$0x14240] =	vst v0  }
0x36: {  	[tilespmem:s14+$0x14250] =	vst v0  }
0x37: {  	[tilespmem:s14+$0x14260] =	vst v0;
	s14 =	sshra.s32 s26, $0x2;
	s26 =	sadd.s32 $0x200, s26  }
0x38: {  	[tilespmem:s14+$0x14270] =	vst v0  }
0x39: {  	[tilespmem:s14+$0x14200] =	vst v0  }
0x3a: {  	[tilespmem:s14+$0x14210] =	vst v0  }
0x3b: {  	[tilespmem:s14+$0x14220] =	vst v0  }
0x3c: {  	[tilespmem:s14+$0x14230] =	vst v0  }
0x3d: {  	[tilespmem:s14+$0x14240] =	vst v0  }
0x3e: {  	[tilespmem:s14+$0x14250] =	vst v0  }
0x3f: {  	[tilespmem:s14+$0x14260] =	vst v0  }
0x40: {  	[spmem:s28] =	stream.linear.scatter [tilespmem:s29], [sflag:$0x1], $0x2800, $0x38;
	[tilespmem:$0x1BA00] =	vst v63  }
0x41: {  	s0 =	rddreg [dreg:$0x11]  }
0x42: {  	[spmem:s0] =	stream.linear.scatter [tilespmem:s29], [sflag:$0x1], $0x2800, $0x38;
	[tilespmem:$0x1BA00] =	vst v63  }
0x43: {  	s6 =	rddreg [dreg:$0x12]  }
0x44: {  	[spmem:s6] =	stream.linear.scatter [tilespmem:s29], [sflag:$0x1], $0x2800, $0x38;
	[tilespmem:$0x1BA00] =	vst v63  }
0x45: {  	s7 =	rddreg [dreg:$0x13]  }
0x46: {  	[spmem:s7] =	stream.linear.scatter [tilespmem:s29], [sflag:$0x1], $0x2800, $0x38;
	[tilespmem:$0x1BA00] =	vst v63  }
0x47: {  	s9 =	rddreg [dreg:$0x14]  }
0x48: {  	[spmem:s9] =	stream.linear.scatter [tilespmem:s29], [sflag:$0x1], $0x2800, $0x38;
	[tilespmem:$0x1BA00] =	vst v63  }
0x49: {  	s10 =	rddreg [dreg:$0x15]  }
0x4a: {  	[spmem:s10] =	stream.linear.scatter [tilespmem:s29], [sflag:$0x1], $0x2800, $0x38;
	[tilespmem:$0x1BA00] =	vst v63  }
0x4b: {  	s14 =	rddreg [dreg:$0x16]  }
0x4c: {  	[spmem:s14] =	stream.linear.scatter [tilespmem:s29], [sflag:$0x1], $0x2800, $0x38;
	[tilespmem:$0x1BA00] =	vst v63  }
0x4d: {  	s16 =	rddreg [dreg:$0x17]  }
0x4e: {  	[spmem:s16] =	stream.linear.scatter [tilespmem:s29], [sflag:$0x1], $0x2400, $0x38;
	[tilespmem:$0x1BA00] =	vst v63  }
0x4f: {  	_ =	swait.ge [sflag:s30], $0x2800  }
0x50: {  	[sflag:s30] =	ssyncset.done $0x0  }
0x51: {  	[sflag:s30] =	ssyncadd.s32 $0xFFFFD800  }
0x52: {  	_ =	swait.ge [sflag:s30], $0x2800  }
0x53: {  	[sflag:s30] =	ssyncset.done $0x0  }
0x54: {  	[sflag:s30] =	ssyncadd.s32 $0xFFFFD800  }
0x55: {  	_ =	swait.ge [sflag:s30], $0x2800  }
0x56: {  	[sflag:s30] =	ssyncset.done $0x0  }
0x57: {  	[sflag:s30] =	ssyncadd.s32 $0xFFFFD800  }
0x58: {  	_ =	swait.ge [sflag:s30], $0x2800  }
0x59: {  	[sflag:s30] =	ssyncset.done $0x0  }
0x5a: {  	[sflag:s30] =	ssyncadd.s32 $0xFFFFD800  }
0x5b: {  	_ =	swait.ge [sflag:s30], $0x2800  }
0x5c: {  	[sflag:s30] =	ssyncset.done $0x0  }
0x5d: {  	[sflag:s30] =	ssyncadd.s32 $0xFFFFD800  }
0x5e: {  	_ =	swait.ge [sflag:s30], $0x2800  }
0x5f: {  	[sflag:s30] =	ssyncset.done $0x0  }
0x60: {  	[sflag:s30] =	ssyncadd.s32 $0xFFFFD800  }
0x61: {  	_ =	swait.ge [sflag:s30], $0x2800  }
0x62: {  	[sflag:s30] =	ssyncset.done $0x0  }
0x63: {  	[sflag:s30] =	ssyncadd.s32 $0xFFFFD800  }
0x64: {  	_ =	swait.ge [sflag:s30], $0x2400  }
0x65: {  	[sflag:s30] =	ssyncset.done $0x0  }
0x66: {  	[sflag:s30] =	ssyncadd.s32 $0xFFFFDC00  }
0x67: {  	[bflag:$0x0] =	sbarrier.arrive $0xFFFF  }
0x68: {  	s26 =	rddreg [dreg:$0x18]  }
0x69: {  	[spmem:s26] =	stream.linear.scatter [tilespmem:s29], [sflag:$0x3], $0x2800, $0x38;
	[tilespmem:$0x1BA00] =	vst v63  }
0x6a: {  	_ = 	snop  }
0x6b: {  	[spmem:s26] =	stream.linear.scatter [tilespmem:s31], [sflag:$0x4], $0x2800, $0x38;
	[tilespmem:$0x1BA00] =	vst v63  }
0x6c: {  	_ = 	snop  }
0x6d: {  	[spmem:s26] =	stream.linear.scatter [tilespmem:s3], [sflag:$0x5], $0x2800, $0x38;
	[tilespmem:$0x1BA00] =	vst v63  }
0x6e: {  	s2 =	simm.s32 $0x0  }
0x6f: {  	[tilespmem:s3], [sflag:$0x2] =	stream.linear.gather [hbm4b:s1+s2], $0x2800, $0x38;
	[tilespmem:$0x1BA00] =	vst v63  }
0x70: {  	[tilespmem:$0x14180] =	vst v1  }
0x71: {  	[tilespmem:$0x14190] =	vst v2  }
0x72: {  	[tilespmem:$0x141A0] =	vst v3  }
0x73: {  	[tilespmem:$0x141B0] =	vst v4  }
0x74: {  	s7 =	simm.s32 $0x13C00;
	s6 =	rddreg [dreg:$0x19];
	[tilespmem:$0x141C0] =	vst v5  }
0x75: {  	[tilespmem:s7], [sflag:$0x6] =	stream.linear.gather [hbm4b:s6+s2], $0x50, $0x38;
	[tilespmem:$0x1BA00] =	vst v63  }
0x76: {  	s16 =	simm.s32 $0x13F00;
	s9 =	rddreg [dreg:$0x1a]  }
0x77: {  	[tilespmem:s16], [sflag:$0x6] =	stream.linear.gather [hbm4b:s9+s2], $0x50, $0x38;
	[tilespmem:$0x1BA00] =	vst v63  }
0x78: {  	_ =	swait.ge [sflag:s8], $0x2800  }
0x79: {  	s6 =	simm.s32 $0x13C80;
	s10 =	rddreg [dreg:$0xe];
	[sflag:s8] =	ssyncset.done $0x0  }
0x7a: {  	s26 =	rddreg [dreg:$0xf];
	[sflag:s8] =	ssyncadd.s32 $0xFFFFD800;
	s14 =	sadd.s32 $0x0, s10  }
0x7b: {  	[tilespmem:s6], [sflag:$0x7] =	stream.linear.gather [hbm4b:s14+s5], $0x50, $0x38;
	[tilespmem:$0x1BA00] =	vst v63  }
0x7c: {  	s2 =	simm.s32 $0x13F80;
	s0 =	sadd.s32 $0x0, s26  }
0x7d: {  	[tilespmem:s2], [sflag:$0x7] =	stream.linear.gather [hbm4b:s0+s5], $0x50, $0x38;
	[tilespmem:$0x1BA00] =	vst v63  }
0x7e: {  	_ =	swait.ge [sflag:s11], $0x50  }
0x7f: {  	[sflag:s11] =	ssyncset.done $0x0  }
0x80: {  	[sflag:s11] =	ssyncadd.s32 $0xFFFFFFB0  }
0x81: {  	_ =	swait.ge [sflag:s11], $0x50  }
0x82: {  	[sflag:s11] =	ssyncset.done $0x0  }
0x83: {  	[sflag:s11] =	ssyncadd.s32 $0xFFFFFFB0  }
0x84: {  	[tilespmem:s29], [sflag:$0x1] =	stream.indirect.gather [hbm4b:s1+s12], $0x80, s7, s12, $0xb8;
	[tilespmem:$0x1BA00] =	vst v63  }
0x85: {  	_ =	swait.ge [sflag:s13], $0x2800  }
0x86: {  	[sflag:s13] =	ssyncset.done $0x0  }
0x87: {  	s0 =	simm.s32 $0x14180;
	[sflag:s13] =	ssyncadd.s32 $0xFFFFD800  }
0x88: {  	[spmem:s4] =	stream.indirect.scatter.add.f32 [tilespmem:s3], [sflag:$0x5], $0x80, s0, s12, $0xb8;
	[tilespmem:$0x1BA00] =	vst v63  }
0x89: {  	_ =	swait.ge [sflag:s17], $0x2800  }
0x8a: {  	s9 =	rddreg [dreg:$0xc];
	[sflag:s17] =	ssyncset.done $0x0  }
0x8b: {  	s10 =	rddreg [dreg:$0xd];
	[sflag:s17] =	ssyncadd.s32 $0xFFFFD800;
	s14 =	sadd.s32 $0x0, s9  }
0x8c: {  	[tilespmem:s19], [sflag:$0x6] =	stream.linear.gather [hbm4b:s14+s5], $0x50, $0x38;
	[tilespmem:$0x1BA00] =	vst v63  }
0x8d: {  	s26 =	sadd.s32 $0x0, s10;
	s9 =	simm.s32 $0x14000  }
0x8e: {  	[tilespmem:s9], [sflag:$0x6] =	stream.linear.gather [hbm4b:s26+s5], $0x50, $0x38;
	[tilespmem:$0x1BA00] =	vst v63  }
0x8f: {  	_ =	swait.ge [sflag:s20], $0x50  }
0x90: {  	[sflag:s20] =	ssyncset.done $0x0  }
0x91: {  	[sflag:s20] =	ssyncadd.s32 $0xFFFFFFB0  }
0x92: {  	_ =	swait.ge [sflag:s20], $0x50  }
0x93: {  	[sflag:s20] =	ssyncset.done $0x0  }
0x94: {  	[sflag:s20] =	ssyncadd.s32 $0xFFFFFFB0  }
0x95: {  	[tilespmem:s31], [sflag:$0x2] =	stream.indirect.gather [hbm4b:s1+s12], $0x80, s6, s12, $0xb8;
	[tilespmem:$0x1BA00] =	vst v63  }
0x96: {  	_ =	swait.ge [sflag:s30], $0x2800  }
0x97: {  	[sflag:s30] =	ssyncset.done $0x0  }
0x98: {  	[sflag:s30] =	ssyncadd.s32 $0xFFFFD800  }
0x99: {  	[spmem:s4] =	stream.indirect.scatter.add.f32 [tilespmem:s29], [sflag:$0x3], $0x80, s16, s12, $0xb8;
	[tilespmem:$0x1BA00] =	vst v63  }
0x9a: {  	_ =	swait.ge [sflag:s21], $0x2800  }
0x9b: {  	s6 =	rddreg [dreg:$0xa];
	[sflag:s21] =	ssyncset.done $0x0  }
0x9c: {  	s10 =	rddreg [dreg:$0xb];
	[sflag:s21] =	ssyncadd.s32 $0xFFFFD800;
	s14 =	sadd.s32 $0x0, s6  }
0x9d: {  	[tilespmem:s23], [sflag:$0x7] =	stream.linear.gather [hbm4b:s14+s5], $0x50, $0x38;
	[tilespmem:$0x1BA00] =	vst v63  }
0x9e: {  	s26 =	sadd.s32 $0x0, s10;
	s10 =	simm.s32 $0x14080  }
0x9f: {  	[tilespmem:s10], [sflag:$0x7] =	stream.linear.gather [hbm4b:s26+s5], $0x50, $0x38;
	[tilespmem:$0x1BA00] =	vst v63  }
0xa0: {  	_ =	swait.ge [sflag:s11], $0x50  }
0xa1: {  	[sflag:s11] =	ssyncset.done $0x0  }
0xa2: {  	[sflag:s11] =	ssyncadd.s32 $0xFFFFFFB0  }
0xa3: {  	_ =	swait.ge [sflag:s11], $0x50  }
0xa4: {  	[sflag:s11] =	ssyncset.done $0x0  }
0xa5: {  	[sflag:s11] =	ssyncadd.s32 $0xFFFFFFB0  }
0xa6: {  	[tilespmem:s3], [sflag:$0x1] =	stream.indirect.gather [hbm4b:s1+s12], $0x80, s19, s12, $0xb8;
	[tilespmem:$0x1BA00] =	vst v63  }
0xa7: {  	_ =	swait.ge [sflag:s13], $0x2800  }
0xa8: {  	[sflag:s13] =	ssyncset.done $0x0  }
0xa9: {  	[sflag:s13] =	ssyncadd.s32 $0xFFFFD800  }
0xaa: {  	[spmem:s4] =	stream.indirect.scatter.add.f32 [tilespmem:s31], [sflag:$0x4], $0x80, s2, s12, $0xb8;
	[tilespmem:$0x1BA00] =	vst v63  }
0xab: {  	_ =	swait.ge [sflag:s8], $0x2800  }
0xac: {  	s2 =	rddreg [dreg:$0x8];
	[sflag:s8] =	ssyncset.done $0x0  }
0xad: {  	s6 =	rddreg [dreg:$0x9];
	[sflag:s8] =	ssyncadd.s32 $0xFFFFD800;
	s14 =	sadd.s32 $0x0, s2  }
0xae: {  	[tilespmem:s15], [sflag:$0x6] =	stream.linear.gather [hbm4b:s14+s5], $0x50, $0x38;
	[tilespmem:$0x1BA00] =	vst v63  }
0xaf: {  	s26 =	sadd.s32 $0x0, s6;
	s6 =	simm.s32 $0x14100  }
0xb0: {  	[tilespmem:s6], [sflag:$0x6] =	stream.linear.gather [hbm4b:s26+s5], $0x50, $0x38;
	[tilespmem:$0x1BA00] =	vst v63  }
0xb1: {  	_ =	swait.ge [sflag:s20], $0x50  }
0xb2: {  	[sflag:s20] =	ssyncset.done $0x0  }
0xb3: {  	[sflag:s20] =	ssyncadd.s32 $0xFFFFFFB0  }
0xb4: {  	_ =	swait.ge [sflag:s20], $0x50  }
0xb5: {  	[sflag:s20] =	ssyncset.done $0x0  }
0xb6: {  	[sflag:s20] =	ssyncadd.s32 $0xFFFFFFB0  }
0xb7: {  	[tilespmem:s29], [sflag:$0x2] =	stream.indirect.gather [hbm4b:s1+s12], $0x80, s23, s12, $0xb8;
	[tilespmem:$0x1BA00] =	vst v63  }
0xb8: {  	_ =	swait.ge [sflag:s30], $0x2800  }
0xb9: {  	[sflag:s30] =	ssyncset.done $0x0  }
0xba: {  	[sflag:s30] =	ssyncadd.s32 $0xFFFFD800  }
0xbb: {  	[spmem:s4] =	stream.indirect.scatter.add.f32 [tilespmem:s3], [sflag:$0x5], $0x80, s9, s12, $0xb8;
	[tilespmem:$0x1BA00] =	vst v63  }
0xbc: {  	_ =	swait.ge [sflag:s17], $0x2800  }
0xbd: {  	s2 =	rddreg [dreg:$0x6];
	[sflag:s17] =	ssyncset.done $0x0  }
0xbe: {  	s9 =	rddreg [dreg:$0x7];
	[sflag:s17] =	ssyncadd.s32 $0xFFFFD800;
	s14 =	sadd.s32 $0x0, s2  }
0xbf: {  	[tilespmem:s18], [sflag:$0x7] =	stream.linear.gather [hbm4b:s14+s5], $0x50, $0x38;
	[tilespmem:$0x1BA00] =	vst v63  }
0xc0: {  	s26 =	sadd.s32 $0x0, s9  }
0xc1: {  	[tilespmem:s0], [sflag:$0x7] =	stream.linear.gather [hbm4b:s26+s5], $0x50, $0x38;
	[tilespmem:$0x1BA00] =	vst v63  }
0xc2: {  	_ =	swait.ge [sflag:s11], $0x50  }
0xc3: {  	[sflag:s11] =	ssyncset.done $0x0  }
0xc4: {  	[sflag:s11] =	ssyncadd.s32 $0xFFFFFFB0  }
0xc5: {  	_ =	swait.ge [sflag:s11], $0x50  }
0xc6: {  	[sflag:s11] =	ssyncset.done $0x0  }
0xc7: {  	[sflag:s11] =	ssyncadd.s32 $0xFFFFFFB0  }
0xc8: {  	[tilespmem:s31], [sflag:$0x1] =	stream.indirect.gather [hbm4b:s1+s12], $0x80, s15, s12, $0xb8;
	[tilespmem:$0x1BA00] =	vst v63  }
0xc9: {  	_ =	swait.ge [sflag:s13], $0x2800  }
0xca: {  	[sflag:s13] =	ssyncset.done $0x0  }
0xcb: {  	[sflag:s13] =	ssyncadd.s32 $0xFFFFD800  }
0xcc: {  	[spmem:s4] =	stream.indirect.scatter.add.f32 [tilespmem:s29], [sflag:$0x3], $0x80, s10, s12, $0xb8;
	[tilespmem:$0x1BA00] =	vst v63  }
0xcd: {  	_ =	swait.ge [sflag:s21], $0x2800  }
0xce: {  	s2 =	sld [smem:$0x7FB];
	_ =	sdelay $0x2  }
0xcf: {  	[sflag:s21] =	ssyncset.done $0x0;
	s9 =	sshrl.u32 s2, $0x3  }
0xd0: {  	s10 =	rddreg [dreg:$0x5];
	[sflag:s21] =	ssyncadd.s32 $0xFFFFD800;
	s14 =	sadd.s32 s25, s9  }
0xd1: {  	[tilespmem:s7], [sflag:$0x6] =	stream.linear.gather [hbm4b:s14+s5], $0x50, $0x38;
	[tilespmem:$0x1BA00] =	vst v63  }
0xd2: {  	s26 =	sadd.s32 $0x0, s10  }
0xd3: {  	[tilespmem:s16], [sflag:$0x6] =	stream.linear.gather [hbm4b:s26+s5], $0x50, $0x38;
	[tilespmem:$0x1BA00] =	vst v63  }
0xd4: {  	_ =	swait.ge [sflag:s20], $0x50  }
0xd5: {  	[sflag:s20] =	ssyncset.done $0x0  }
0xd6: {  	[sflag:s20] =	ssyncadd.s32 $0xFFFFFFB0  }
0xd7: {  	_ =	swait.ge [sflag:s20], $0x50  }
0xd8: {  	[sflag:s20] =	ssyncset.done $0x0  }
0xd9: {  	[sflag:s20] =	ssyncadd.s32 $0xFFFFFFB0  }
0xda: {  	[tilespmem:s3], [sflag:$0x2] =	stream.indirect.gather [hbm4b:s1+s12], $0x80, s18, s12, $0xb8;
	[tilespmem:$0x1BA00] =	vst v63  }
0xdb: {  	_ =	swait.ge [sflag:s30], $0x2800  }
0xdc: {  	s0 =	smov.u32 s25;
	[sflag:s30] =	ssyncset.done $0x0  }
0xdd: {  	s28 =	sadd.s32 $0x1E0, s2;
	s26 =	simm.s32 $0x3C;
	[sflag:s30] =	ssyncadd.s32 $0xFFFFD800  }
.LBB2_4:
0xde: {  	[spmem:s4] =	stream.indirect.scatter.add.f32 [tilespmem:s31], [sflag:$0x4], $0x80, s6, s12, $0xb8;
	[tilespmem:$0x1BA00] =	vst v63  }
0xdf: {  	s14 =	smov.u32 s26;
	_ =	swait.ge [sflag:s8], $0x2800  }
0xe0: {  	s10 =	simm.s32 $0x13C80;
	s25 =	rddreg [dreg:$0xe];
	[sflag:s8] =	ssyncset.done $0x0  }
0xe1: {  	s2 =	rddreg [dreg:$0xf];
	[sflag:s8] =	ssyncadd.s32 $0xFFFFD800;
	s25 =	sadd.s32 s14, s25  }
0xe2: {  	[tilespmem:s10], [sflag:$0x7] =	stream.linear.gather [hbm4b:s25+s5], $0x50, $0x38;
	[tilespmem:$0x1BA00] =	vst v63  }
0xe3: {  	s2 =	sadd.s32 s14, s2  }
0xe4: {  	[tilespmem:s22], [sflag:$0x7] =	stream.linear.gather [hbm4b:s2+s5], $0x50, $0x38;
	[tilespmem:$0x1BA00] =	vst v63  }
0xe5: {  	_ =	swait.ge [sflag:s11], $0x50  }
0xe6: {  	[sflag:s11] =	ssyncset.done $0x0  }
0xe7: {  	[sflag:s11] =	ssyncadd.s32 $0xFFFFFFB0  }
0xe8: {  	_ =	swait.ge [sflag:s11], $0x50  }
0xe9: {  	[sflag:s11] =	ssyncset.done $0x0  }
0xea: {  	[sflag:s11] =	ssyncadd.s32 $0xFFFFFFB0  }
0xeb: {  	[tilespmem:s29], [sflag:$0x1] =	stream.indirect.gather [hbm4b:s1+s12], $0x80, s7, s12, $0xb8;
	[tilespmem:$0x1BA00] =	vst v63  }
0xec: {  	_ =	swait.ge [sflag:s13], $0x2800  }
0xed: {  	[sflag:s13] =	ssyncset.done $0x0  }
0xee: {  	s16 =	simm.s32 $0x14180;
	[sflag:s13] =	ssyncadd.s32 $0xFFFFD800  }
0xef: {  	[spmem:s4] =	stream.indirect.scatter.add.f32 [tilespmem:s3], [sflag:$0x5], $0x80, s16, s12, $0xb8;
	[tilespmem:$0x1BA00] =	vst v63  }
0xf0: {  	_ =	swait.ge [sflag:s17], $0x2800  }
0xf1: {  	s25 =	rddreg [dreg:$0xc];
	[sflag:s17] =	ssyncset.done $0x0  }
0xf2: {  	s9 =	rddreg [dreg:$0xd];
	[sflag:s17] =	ssyncadd.s32 $0xFFFFD800;
	s2 =	sadd.s32 s14, s25  }
0xf3: {  	[tilespmem:s19], [sflag:$0x6] =	stream.linear.gather [hbm4b:s2+s5], $0x50, $0x38;
	[tilespmem:$0x1BA00] =	vst v63  }
0xf4: {  	s25 =	sadd.s32 s14, s9;
	s9 =	simm.s32 $0x14000  }
0xf5: {  	[tilespmem:s9], [sflag:$0x6] =	stream.linear.gather [hbm4b:s25+s5], $0x50, $0x38;
	[tilespmem:$0x1BA00] =	vst v63  }
0xf6: {  	_ =	swait.ge [sflag:s20], $0x50  }
0xf7: {  	[sflag:s20] =	ssyncset.done $0x0  }
0xf8: {  	[sflag:s20] =	ssyncadd.s32 $0xFFFFFFB0  }
0xf9: {  	_ =	swait.ge [sflag:s20], $0x50  }
0xfa: {  	[sflag:s20] =	ssyncset.done $0x0  }
0xfb: {  	[sflag:s20] =	ssyncadd.s32 $0xFFFFFFB0  }
0xfc: {  	[tilespmem:s31], [sflag:$0x2] =	stream.indirect.gather [hbm4b:s1+s12], $0x80, s10, s12, $0xb8;
	[tilespmem:$0x1BA00] =	vst v63  }
0xfd: {  	_ =	swait.ge [sflag:s30], $0x2800  }
0xfe: {  	[sflag:s30] =	ssyncset.done $0x0  }
0xff: {  	[sflag:s30] =	ssyncadd.s32 $0xFFFFD800  }
0x100: {  	[spmem:s4] =	stream.indirect.scatter.add.f32 [tilespmem:s29], [sflag:$0x3], $0x80, s24, s12, $0xb8;
	[tilespmem:$0x1BA00] =	vst v63  }
0x101: {  	_ =	swait.ge [sflag:s21], $0x2800  }
0x102: {  	s25 =	rddreg [dreg:$0xa];
	[sflag:s21] =	ssyncset.done $0x0  }
0x103: {  	s10 =	rddreg [dreg:$0xb];
	[sflag:s21] =	ssyncadd.s32 $0xFFFFD800;
	s2 =	sadd.s32 s14, s25  }
0x104: {  	[tilespmem:s23], [sflag:$0x7] =	stream.linear.gather [hbm4b:s2+s5], $0x50, $0x38;
	[tilespmem:$0x1BA00] =	vst v63  }
0x105: {  	s25 =	sadd.s32 s14, s10;
	s10 =	simm.s32 $0x14080  }
0x106: {  	[tilespmem:s10], [sflag:$0x7] =	stream.linear.gather [hbm4b:s25+s5], $0x50, $0x38;
	[tilespmem:$0x1BA00] =	vst v63  }
0x107: {  	_ =	swait.ge [sflag:s11], $0x50  }
0x108: {  	[sflag:s11] =	ssyncset.done $0x0  }
0x109: {  	[sflag:s11] =	ssyncadd.s32 $0xFFFFFFB0  }
0x10a: {  	_ =	swait.ge [sflag:s11], $0x50  }
0x10b: {  	[sflag:s11] =	ssyncset.done $0x0  }
0x10c: {  	[sflag:s11] =	ssyncadd.s32 $0xFFFFFFB0  }
0x10d: {  	[tilespmem:s3], [sflag:$0x1] =	stream.indirect.gather [hbm4b:s1+s12], $0x80, s19, s12, $0xb8;
	[tilespmem:$0x1BA00] =	vst v63  }
0x10e: {  	_ =	swait.ge [sflag:s13], $0x2800  }
0x10f: {  	[sflag:s13] =	ssyncset.done $0x0  }
0x110: {  	[sflag:s13] =	ssyncadd.s32 $0xFFFFD800  }
0x111: {  	[spmem:s4] =	stream.indirect.scatter.add.f32 [tilespmem:s31], [sflag:$0x4], $0x80, s22, s12, $0xb8;
	[tilespmem:$0x1BA00] =	vst v63  }
0x112: {  	_ =	swait.ge [sflag:s8], $0x2800  }
0x113: {  	s2 =	rddreg [dreg:$0x8];
	[sflag:s8] =	ssyncset.done $0x0  }
0x114: {  	s25 =	rddreg [dreg:$0x9];
	[sflag:s8] =	ssyncadd.s32 $0xFFFFD800;
	s2 =	sadd.s32 s14, s2  }
0x115: {  	[tilespmem:s15], [sflag:$0x6] =	stream.linear.gather [hbm4b:s2+s5], $0x50, $0x38;
	[tilespmem:$0x1BA00] =	vst v63  }
0x116: {  	s25 =	sadd.s32 s14, s25  }
0x117: {  	[tilespmem:s6], [sflag:$0x6] =	stream.linear.gather [hbm4b:s25+s5], $0x50, $0x38;
	[tilespmem:$0x1BA00] =	vst v63  }
0x118: {  	_ =	swait.ge [sflag:s20], $0x50  }
0x119: {  	[sflag:s20] =	ssyncset.done $0x0  }
0x11a: {  	[sflag:s20] =	ssyncadd.s32 $0xFFFFFFB0  }
0x11b: {  	_ =	swait.ge [sflag:s20], $0x50  }
0x11c: {  	[sflag:s20] =	ssyncset.done $0x0  }
0x11d: {  	[sflag:s20] =	ssyncadd.s32 $0xFFFFFFB0  }
0x11e: {  	[tilespmem:s29], [sflag:$0x2] =	stream.indirect.gather [hbm4b:s1+s12], $0x80, s23, s12, $0xb8;
	[tilespmem:$0x1BA00] =	vst v63  }
0x11f: {  	_ =	swait.ge [sflag:s30], $0x2800  }
0x120: {  	[sflag:s30] =	ssyncset.done $0x0  }
0x121: {  	[sflag:s30] =	ssyncadd.s32 $0xFFFFD800  }
0x122: {  	[spmem:s4] =	stream.indirect.scatter.add.f32 [tilespmem:s3], [sflag:$0x5], $0x80, s9, s12, $0xb8;
	[tilespmem:$0x1BA00] =	vst v63  }
0x123: {  	_ =	swait.ge [sflag:s17], $0x2800  }
0x124: {  	s25 =	rddreg [dreg:$0x6];
	[sflag:s17] =	ssyncset.done $0x0  }
0x125: {  	s9 =	rddreg [dreg:$0x7];
	[sflag:s17] =	ssyncadd.s32 $0xFFFFD800;
	s2 =	sadd.s32 s14, s25  }
0x126: {  	[tilespmem:s18], [sflag:$0x7] =	stream.linear.gather [hbm4b:s2+s5], $0x50, $0x38;
	[tilespmem:$0x1BA00] =	vst v63  }
0x127: {  	s9 =	sadd.s32 s14, s9  }
0x128: {  	[tilespmem:s16], [sflag:$0x7] =	stream.linear.gather [hbm4b:s9+s5], $0x50, $0x38;
	[tilespmem:$0x1BA00] =	vst v63  }
0x129: {  	_ =	swait.ge [sflag:s11], $0x50  }
0x12a: {  	[sflag:s11] =	ssyncset.done $0x0  }
0x12b: {  	[sflag:s11] =	ssyncadd.s32 $0xFFFFFFB0  }
0x12c: {  	_ =	swait.ge [sflag:s11], $0x50  }
0x12d: {  	[sflag:s11] =	ssyncset.done $0x0  }
0x12e: {  	[sflag:s11] =	ssyncadd.s32 $0xFFFFFFB0  }
0x12f: {  	[tilespmem:s31], [sflag:$0x1] =	stream.indirect.gather [hbm4b:s1+s12], $0x80, s15, s12, $0xb8;
	[tilespmem:$0x1BA00] =	vst v63  }
0x130: {  	_ =	swait.ge [sflag:s13], $0x2800  }
0x131: {  	[sflag:s13] =	ssyncset.done $0x0  }
0x132: {  	[sflag:s13] =	ssyncadd.s32 $0xFFFFD800  }
0x133: {  	[spmem:s4] =	stream.indirect.scatter.add.f32 [tilespmem:s29], [sflag:$0x3], $0x80, s10, s12, $0xb8;
	[tilespmem:$0x1BA00] =	vst v63  }
0x134: {  	_ =	swait.ge [sflag:s21], $0x2800  }
0x135: {  	s10 =	sshrl.u32 s28, $0x3;
	[sflag:s21] =	ssyncset.done $0x0  }
0x136: {  	s2 =	sadd.s32 s0, s10;
	s16 =	rddreg [dreg:$0x5];
	[sflag:s21] =	ssyncadd.s32 $0xFFFFD800  }
0x137: {  	[tilespmem:s7], [sflag:$0x6] =	stream.linear.gather [hbm4b:s2+s5], $0x50, $0x38;
	[tilespmem:$0x1BA00] =	vst v63  }
0x138: {  	s25 =	sadd.s32 s14, s16  }
0x139: {  	[tilespmem:s24], [sflag:$0x6] =	stream.linear.gather [hbm4b:s25+s5], $0x50, $0x38;
	[tilespmem:$0x1BA00] =	vst v63  }
0x13a: {  	_ =	swait.ge [sflag:s20], $0x50  }
0x13b: {  	[sflag:s20] =	ssyncset.done $0x0  }
0x13c: {  	[sflag:s20] =	ssyncadd.s32 $0xFFFFFFB0  }
0x13d: {  	_ =	swait.ge [sflag:s20], $0x50  }
0x13e: {  	p0 =	sne.s32 s26, $0x474;
	[sflag:s20] =	ssyncset.done $0x0  }
.Ltmp1:
0x13f: {  	[sflag:s20] =	ssyncadd.s32 $0xFFFFFFB0;
	(pc) =	sbr.rel @p0 .LBB2_4-.Ltmp1, $4  }
0x140: {  	[tilespmem:s3], [sflag:$0x2] =	stream.indirect.gather [hbm4b:s1+s12], $0x80, s18, s12, $0xb8;
	[tilespmem:$0x1BA00] =	vst v63  }
0x141: {  	_ =	swait.ge [sflag:s30], $0x2800  }
0x142: {  	s26 =	sadd.s32 $0x3C, s26;
	[sflag:s30] =	ssyncset.done $0x0  }
0x143: {  	s28 =	sadd.s32 $0x1E0, s28;
	s16 =	simm.s32 $0x13F00;
	[sflag:s30] =	ssyncadd.s32 $0xFFFFD800  }
0x144: {  	[spmem:s4] =	stream.indirect.scatter.add.f32 [tilespmem:s31], [sflag:$0x4], $0x80, s6, s12, $0xb8;
	[tilespmem:$0x1BA00] =	vst v63  }
0x145: {  	_ =	swait.ge [sflag:s8], $0x2800  }
0x146: {  	[sflag:s8] =	ssyncset.done $0x0  }
0x147: {  	s10 =	simm.s32 $0x13C80;
	s2 =	rddreg [dreg:$0x1b];
	[sflag:s8] =	ssyncadd.s32 $0xFFFFD800  }
0x148: {  	[tilespmem:s10], [sflag:$0x7] =	stream.linear.gather [hbm4b:s2+s5], $0x50, $0x38;
	[tilespmem:$0x1BA00] =	vst v63  }
0x149: {  	s14 =	simm.s32 $0x13F80;
	s26 =	rddreg [dreg:$0x1c]  }
0x14a: {  	[tilespmem:s14], [sflag:$0x7] =	stream.linear.gather [hbm4b:s26+s5], $0x50, $0x38;
	[tilespmem:$0x1BA00] =	vst v63  }
0x14b: {  	_ =	swait.ge [sflag:s11], $0x50  }
0x14c: {  	[sflag:s11] =	ssyncset.done $0x0  }
0x14d: {  	[sflag:s11] =	ssyncadd.s32 $0xFFFFFFB0  }
0x14e: {  	_ =	swait.ge [sflag:s11], $0x50  }
0x14f: {  	[sflag:s11] =	ssyncset.done $0x0  }
0x150: {  	[sflag:s11] =	ssyncadd.s32 $0xFFFFFFB0  }
0x151: {  	[tilespmem:s29], [sflag:$0x1] =	stream.indirect.gather [hbm4b:s1+s12], $0x80, s7, s12, $0xb8;
	[tilespmem:$0x1BA00] =	vst v63  }
0x152: {  	_ =	swait.ge [sflag:s13], $0x2800  }
0x153: {  	[sflag:s13] =	ssyncset.done $0x0  }
0x154: {  	s7 =	simm.s32 $0x14180;
	[sflag:s13] =	ssyncadd.s32 $0xFFFFD800  }
0x155: {  	[spmem:s4] =	stream.indirect.scatter.add.f32 [tilespmem:s3], [sflag:$0x5], $0x80, s7, s12, $0xb8;
	[tilespmem:$0x1BA00] =	vst v63  }
0x156: {  	_ =	swait.ge [sflag:s17], $0x2800  }
0x157: {  	[sflag:s17] =	ssyncset.done $0x0  }
0x158: {  	s9 =	rddreg [dreg:$0x1d];
	[sflag:s17] =	ssyncadd.s32 $0xFFFFD800  }
0x159: {  	[tilespmem:s19], [sflag:$0x6] =	stream.linear.gather [hbm4b:s9+s5], $0x50, $0x38;
	[tilespmem:$0x1BA00] =	vst v63  }
0x15a: {  	s25 =	rddreg [dreg:$0x1e];
	s9 =	simm.s32 $0x14000  }
0x15b: {  	[tilespmem:s9], [sflag:$0x6] =	stream.linear.gather [hbm4b:s25+s5], $0x50, $0x38;
	[tilespmem:$0x1BA00] =	vst v63  }
0x15c: {  	_ =	swait.ge [sflag:s20], $0x50  }
0x15d: {  	[sflag:s20] =	ssyncset.done $0x0  }
0x15e: {  	[sflag:s20] =	ssyncadd.s32 $0xFFFFFFB0  }
0x15f: {  	_ =	swait.ge [sflag:s20], $0x50  }
0x160: {  	[sflag:s20] =	ssyncset.done $0x0  }
0x161: {  	[sflag:s20] =	ssyncadd.s32 $0xFFFFFFB0  }
0x162: {  	[tilespmem:s31], [sflag:$0x2] =	stream.indirect.gather [hbm4b:s1+s12], $0x80, s10, s12, $0xb8;
	[tilespmem:$0x1BA00] =	vst v63  }
0x163: {  	_ =	swait.ge [sflag:s30], $0x2800  }
0x164: {  	[sflag:s30] =	ssyncset.done $0x0  }
0x165: {  	[sflag:s30] =	ssyncadd.s32 $0xFFFFD800  }
0x166: {  	[spmem:s4] =	stream.indirect.scatter.add.f32 [tilespmem:s29], [sflag:$0x3], $0x80, s16, s12, $0xb8;
	[tilespmem:$0x1BA00] =	vst v63  }
0x167: {  	_ =	swait.ge [sflag:s21], $0x2800  }
0x168: {  	[sflag:s21] =	ssyncset.done $0x0;
	s26 =	rddreg [dreg:$0x1f]  }
0x169: {  	s10 =	sld [smem:$0x7F8];
	[sflag:s21] =	ssyncadd.s32 $0xFFFFD800  }
0x16a: {  	[tilespmem:s23], [sflag:$0x7] =	stream.linear.gather [hbm4b:s26+s5], $0x50, $0x38;
	[tilespmem:$0x1BA00] =	vst v63  }
0x16b: {  	s16 =	simm.s32 $0x14080  }
0x16c: {  	[tilespmem:s16], [sflag:$0x7] =	stream.linear.gather [hbm4b:s10+s5], $0x50, $0x38;
	[tilespmem:$0x1BA00] =	vst v63  }
0x16d: {  	_ =	swait.ge [sflag:s11], $0x50  }
0x16e: {  	[sflag:s11] =	ssyncset.done $0x0  }
0x16f: {  	[sflag:s11] =	ssyncadd.s32 $0xFFFFFFB0  }
0x170: {  	_ =	swait.ge [sflag:s11], $0x50  }
0x171: {  	[sflag:s11] =	ssyncset.done $0x0  }
0x172: {  	[sflag:s11] =	ssyncadd.s32 $0xFFFFFFB0  }
0x173: {  	[tilespmem:s3], [sflag:$0x1] =	stream.indirect.gather [hbm4b:s1+s12], $0x80, s19, s12, $0xb8;
	[tilespmem:$0x1BA00] =	vst v63  }
0x174: {  	_ =	swait.ge [sflag:s13], $0x2800  }
0x175: {  	[sflag:s13] =	ssyncset.done $0x0  }
0x176: {  	[sflag:s13] =	ssyncadd.s32 $0xFFFFD800  }
0x177: {  	[spmem:s4] =	stream.indirect.scatter.add.f32 [tilespmem:s31], [sflag:$0x4], $0x80, s14, s12, $0xb8;
	[tilespmem:$0x1BA00] =	vst v63  }
0x178: {  	_ =	swait.ge [sflag:s8], $0x2800  }
0x179: {  	s25 =	sld [smem:$0x7FC]  }
0x17a: {  	[sflag:s8] =	ssyncset.done $0x0  }
0x17b: {  	s26 =	sld [smem:$0x7FD];
	[sflag:s8] =	ssyncadd.s32 $0xFFFFD800  }
0x17c: {  	[tilespmem:s15], [sflag:$0x6] =	stream.linear.gather [hbm4b:s25+s5], $0x50, $0x38;
	[tilespmem:$0x1BA00] =	vst v63  }
0x17d: {  	_ = 	snop  }
0x17e: {  	[tilespmem:s6], [sflag:$0x6] =	stream.linear.gather [hbm4b:s26+s5], $0x50, $0x38;
	[tilespmem:$0x1BA00] =	vst v63  }
0x17f: {  	_ =	swait.ge [sflag:s20], $0x50  }
0x180: {  	[sflag:s20] =	ssyncset.done $0x0  }
0x181: {  	[sflag:s20] =	ssyncadd.s32 $0xFFFFFFB0  }
0x182: {  	_ =	swait.ge [sflag:s20], $0x50  }
0x183: {  	[sflag:s20] =	ssyncset.done $0x0  }
0x184: {  	[sflag:s20] =	ssyncadd.s32 $0xFFFFFFB0  }
0x185: {  	[tilespmem:s29], [sflag:$0x2] =	stream.indirect.gather [hbm4b:s1+s12], $0x80, s23, s12, $0xb8;
	[tilespmem:$0x1BA00] =	vst v63  }
0x186: {  	_ =	swait.ge [sflag:s30], $0x2800  }
0x187: {  	[sflag:s30] =	ssyncset.done $0x0  }
0x188: {  	[sflag:s30] =	ssyncadd.s32 $0xFFFFD800  }
0x189: {  	[spmem:s4] =	stream.indirect.scatter.add.f32 [tilespmem:s3], [sflag:$0x5], $0x80, s9, s12, $0xb8;
	[tilespmem:$0x1BA00] =	vst v63  }
0x18a: {  	_ =	swait.ge [sflag:s17], $0x2800  }
0x18b: {  	[sflag:s17] =	ssyncset.done $0x0  }
0x18c: {  	[sflag:s17] =	ssyncadd.s32 $0xFFFFD800  }
0x18d: {  	[tilespmem:s18], [sflag:$0x7] =	stream.linear.gather [hbm4b:s25+s5], $0x50, $0x38;
	[tilespmem:$0x1BA00] =	vst v63  }
0x18e: {  	_ = 	snop  }
0x18f: {  	[tilespmem:s7], [sflag:$0x7] =	stream.linear.gather [hbm4b:s26+s5], $0x50, $0x38;
	[tilespmem:$0x1BA00] =	vst v63  }
0x190: {  	_ =	swait.ge [sflag:s11], $0x50  }
0x191: {  	[sflag:s11] =	ssyncset.done $0x0  }
0x192: {  	[sflag:s11] =	ssyncadd.s32 $0xFFFFFFB0  }
0x193: {  	_ =	swait.ge [sflag:s11], $0x50  }
0x194: {  	[sflag:s11] =	ssyncset.done $0x0  }
0x195: {  	[sflag:s11] =	ssyncadd.s32 $0xFFFFFFB0  }
0x196: {  	[tilespmem:s31], [sflag:$0x1] =	stream.indirect.gather [hbm4b:s1+s12], $0x80, s15, s12, $0xb8;
	[tilespmem:$0x1BA00] =	vst v63  }
0x197: {  	_ =	swait.ge [sflag:s13], $0x2800  }
0x198: {  	[sflag:s13] =	ssyncset.done $0x0  }
0x199: {  	[sflag:s13] =	ssyncadd.s32 $0xFFFFD800  }
0x19a: {  	[spmem:s4] =	stream.indirect.scatter.add.f32 [tilespmem:s29], [sflag:$0x3], $0x80, s16, s12, $0xb8;
	[tilespmem:$0x1BA00] =	vst v63  }
0x19b: {  	_ =	swait.ge [sflag:s30], $0x2800  }
0x19c: {  	[sflag:s30] =	ssyncset.done $0x0  }
0x19d: {  	[sflag:s30] =	ssyncadd.s32 $0xFFFFD800  }
0x19e: {  	[spmem:s4] =	stream.indirect.scatter.add.f32 [tilespmem:s31], [sflag:$0x4], $0x80, s6, s12, $0xb8;
	[tilespmem:$0x1BA00] =	vst v63  }
0x19f: {  	_ =	swait.ge [sflag:s8], $0x2800  }
0x1a0: {  	[sflag:s8] =	ssyncset.done $0x0  }
0x1a1: {  	[sflag:s8] =	ssyncadd.s32 $0xFFFFD800  }
0x1a2: {  	_ =	swait.ge [sflag:s17], $0x2800  }
0x1a3: {  	[sflag:s17] =	ssyncset.done $0x0  }
0x1a4: {  	[sflag:s17] =	ssyncadd.s32 $0xFFFFD800  }
0x1a5: {  	_ =	swait.ge [sflag:s21], $0x2800  }
0x1a6: {  	[sflag:s21] =	ssyncset.done $0x0  }
0x1a7: {  	[sflag:s21] =	ssyncadd.s32 $0xFFFFD800  }
0x1a8: {  	_ =	swait.ge [sflag:s21], $0x2800  }
0x1a9: {  	[sflag:s21] =	ssyncset.done $0x0  }
0x1aa: {  	[sflag:s21] =	ssyncadd.s32 $0xFFFFD800  }
0x1ab: {  	_ =	swait.ge [sflag:s20], $0x50  }
0x1ac: {  	[sflag:s20] =	ssyncset.done $0x0  }
0x1ad: {  	[sflag:s20] =	ssyncadd.s32 $0xFFFFFFB0  }
0x1ae: {  	_ =	swait.ge [sflag:s20], $0x50  }
0x1af: {  	[sflag:s20] =	ssyncset.done $0x0  }
0x1b0: {  	[sflag:s20] =	ssyncadd.s32 $0xFFFFFFB0  }
0x1b1: {  	[bflag:$0x0] =	sbarrier.arrive $0xFFFF  }
0x1b2: {  	s9 =	stileid.u32;
	s25 =	sld [smem:$0x7F9]  }
0x1b3: {  	s2 =	sshll.u32 s9, $0x6;
	s28 =	rddreg [dreg:$0x10]  }
0x1b4: {  	s2 =	sor.u32 $0x1C08, s2;
	s16 =	simm.s32 $0x8;
	s10 =	sshrl.u32 s28, $0x3  }
0x1b5: {  	[hbm:s25], [sflag:s2] =	dma.local [spmem:s10], $0x2780  }
0x1b6: {  	_ =	swait.ge [sflag:s16], $0x2780  }
0x1b7: {  	s25 =	sld [smem:$0x7F7]  }
0x1b8: {  	s26 =	sld [smem:$0x7FA];
	_ =	sdelay $0x1  }
0x1b9: {  	s7 =	sadd.s32 $0x1, s25  }
0x1ba: {  	p0 =	sne.s32 s7, s26  }
.Ltmp2:
0x1bb: {  	_ = 	snop;
	(pc) =	sbr.rel @p0 .LBB2_1-.Ltmp2, $3  }
0x1bc: {  	_ =	sdelay $0x1  }
0x1bd: {  	[sflag:s16] =	ssyncset.done $0x0  }
0x1be: {  	[sflag:s16] =	ssyncadd.s32 $0xFFFFD880;
	s25 =	smov.u32 s0  }
0x1bf: {  	_ =	sfence.sel $0x180000  }
0x1c0: {  	[bflag:$0x0] =	sbarrier.arrive $0xFFFF  }
0x1c1: {  	_ =	strace $0x90000047  }
0x1c2: {  	s0 =	stileid.u32;
	[bflag:$0x2] =	sbarrier.arrive $0xFFFF  }
0x1c3: {  	p0 =	sne.s32 s0, $0x0;
	s0 =	rddreg [dreg:$0x4]  }
0x1c4: {  	s0 =	sadd.s32 @!p0 $0x100000, s0  }
0x1c5: {  	[sflag:s0] =	ssyncadd.tile.s32 @!p0 $0x1;
	_ =	shalt  }
.Lfunc_end2:
_tile_overlayer_lowered:
.L_overlay_start_2:
0x1c6: {  	(tag) =	ssettag $0x2  }
0x1c7: {  	s0 =	rddreg [dreg:$0x0];
	s2 =	stileid.u32  }
0x1c8: {  	s1 =	rddreg [dreg:$0x1];
	p0 =	sne.s32 s2, $0x0  }
0x1c9: {  	s3 =	rddreg [dreg:$0x2];
	[bflag:$0x3] =	sbarrier.arrive $0xFFFF;
	s2 =	simm.s32 @!p0 $0x1C08  }
0x1ca: {  	[timem:s3], [sflag:s2] =	dma.local @!p0 [hbm:s0], s1  }
0x1cb: {  	s0 =	simm.s32 @!p0 $0x8  }
0x1cc: {  	_ =	swait.ge @!p0 [sflag:s0], s1  }
0x1cd: {  	s1 =	ssub.s32 @!p0 $0x0, s1;
	[sflag:s0] =	ssyncset.done @!p0 $0x0  }
0x1ce: {  	[sflag:s0] =	ssyncadd.s32 @!p0 s1  }
0x1cf: {  	[bflag:$0x3] =	sbarrier.arrive $0xFFFF  }
0x1d0: {  	_ =	shalt  }

</sc_bundles>
